<compile_context>
chip_gen: v7x
topology: tpu7x:2x2x1
jax: 0.10.2.dev20260603
libtpu: 0.0.44.dev20260713+nightly
codegen_flags: <defaults>
</compile_context>

<pallas_src>
import functools

import jax
import jax.numpy as jnp
from jax import lax
from jax.experimental import pallas as pl
from jax.experimental.pallas import tpu as pltpu
from jax.experimental.pallas import tpu_sc as plsc

R2 = 0.81
KNB = 32
NPT = 4096
MPT = NPT // 4
NFRAME = 12
CHUNKQ = 128
NCHUNK = MPT // CHUNKQ
LANES = 16
FPS_UNROLL = 4
BQ_UNROLL = 4

_f32 = jnp.float32
_i32 = jnp.int32


def _build_sc_kernel():
    info = plsc.get_sparse_core_info()
    nc = info.num_cores
    mesh = plsc.VectorSubcoreMesh(core_axis_name="c", subcore_axis_name="s")
    out_type = (
        jax.ShapeDtypeStruct((NFRAME, MPT), _f32),
        jax.ShapeDtypeStruct((NFRAME, MPT), _f32),
        jax.ShapeDtypeStruct((NFRAME, MPT), _f32),
        jax.ShapeDtypeStruct((NFRAME, KNB, MPT), _f32),
        jax.ShapeDtypeStruct((NFRAME, KNB, MPT), _f32),
        jax.ShapeDtypeStruct((NFRAME, KNB, MPT), _f32),
    )
    scratch = [
        pltpu.VMEM((NPT,), _f32),
        pltpu.VMEM((NPT,), _f32),
        pltpu.VMEM((NPT,), _f32),
        pltpu.VMEM((NPT,), _f32),
        pltpu.VMEM((MPT,), _f32),
        pltpu.VMEM((MPT,), _f32),
        pltpu.VMEM((MPT,), _f32),
        pltpu.VMEM((KNB, CHUNKQ), _f32),
        pltpu.VMEM((KNB, CHUNKQ), _f32),
        pltpu.VMEM((KNB, CHUNKQ), _f32),
    ]

    @functools.partial(
        pl.kernel, out_type=out_type, mesh=mesh, scratch_types=scratch,
        compiler_params=pltpu.CompilerParams(needs_layout_passes=False))
    def sc_kernel(xs_h, ys_h, zs_h, rfx_h, rfy_h, rfz_h, dpx_h, dpy_h, dpz_h,
                  xs, ys, zs, dist, rfx, rfy, rfz, bx, by, bz):
        wid = lax.axis_index("s") * nc + lax.axis_index("c")

        @pl.when(wid < NFRAME)
        def _frame():
            f = wid
            pltpu.sync_copy(xs_h.at[f], xs)
            pltpu.sync_copy(ys_h.at[f], ys)
            pltpu.sync_copy(zs_h.at[f], zs)

            iota = lax.iota(_i32, LANES)
            lane0 = iota == 0
            big = jnp.full((LANES,), 1e10, _f32)

            @plsc.parallel_loop(0, NPT // LANES, unroll=8)
            def _init(j):
                dist[pl.ds(j * LANES, LANES)] = big

            def fps_step(i, far):
                farv = jnp.full((LANES,), far, _i32)
                cxv = plsc.load_gather(xs, [farv])
                cyv = plsc.load_gather(ys, [farv])
                czv = plsc.load_gather(zs, [farv])
                iv = jnp.full((LANES,), i, _i32)
                plsc.store_scatter(rfx, [iv], cxv, mask=lane0)
                plsc.store_scatter(rfy, [iv], cyv, mask=lane0)
                plsc.store_scatter(rfz, [iv], czv, mask=lane0)

                neg = jnp.full((LANES,), -1.0, _f32)
                zi = jnp.zeros((LANES,), _i32)

                @plsc.parallel_loop(0, NPT // (LANES * FPS_UNROLL), unroll=4,
                                    carry=((neg,) * FPS_UNROLL,
                                           (zi,) * FPS_UNROLL))
                def inner(j, acc):
                    bv, bi = list(acc[0]), list(acc[1])
                    base = j * (LANES * FPS_UNROLL)
                    for u in range(FPS_UNROLL):
                        off = base + u * LANES
                        dx = xs[pl.ds(off, LANES)] - cxv
                        dy = ys[pl.ds(off, LANES)] - cyv
                        dz = zs[pl.ds(off, LANES)] - czv
                        d = dx * dx + dy * dy + dz * dz
                        nd = jnp.minimum(dist[pl.ds(off, LANES)], d)
                        dist[pl.ds(off, LANES)] = nd
                        gt = nd > bv[u]
                        bv[u] = jnp.where(gt, nd, bv[u])
                        bi[u] = jnp.where(gt, iota + off, bi[u])
                    return (tuple(bv), tuple(bi))

                bv, bi = inner

                def comb(va, ia, vb, ib):
                    t = (vb > va) | ((vb == va) & (ib < ia))
                    return jnp.where(t, vb, va), jnp.where(t, ib, ia)

                v01, i01 = comb(bv[0], bi[0], bv[1], bi[1])
                v23, i23 = comb(bv[2], bi[2], bv[3], bi[3])
                v, ivec = comb(v01, i01, v23, i23)
                mx = jnp.max(v)
                cand = jnp.where(v == mx, ivec, jnp.full((LANES,), 1 << 30, _i32))
                return jnp.min(cand)

            lax.fori_loop(0, MPT, fps_step, jnp.int32(0))

            pltpu.sync_copy(rfx, rfx_h.at[f])
            pltpu.sync_copy(rfy, rfy_h.at[f])
            pltpu.sync_copy(rfz, rfz_h.at[f])

            ones = jnp.ones((LANES,), _i32)

            def chunk_body(cidx, carry):
                def q_body(ml, carry2):
                    m = cidx * CHUNKQ + ml
                    mv = jnp.full((LANES,), m, _i32)
                    qxv = plsc.load_gather(rfx, [mv])
                    qyv = plsc.load_gather(rfy, [mv])
                    qzv = plsc.load_gather(rfz, [mv])
                    mlv = jnp.full((LANES,), ml, _i32)

                    def cond(st):
                        j, cnt = st
                        return (cnt < KNB) & (j < NPT // (LANES * BQ_UNROLL))

                    def body(st):
                        j, cnt = st
                        base = j * (LANES * BQ_UNROLL)
                        dvals = []
                        msks = []
                        for u in range(BQ_UNROLL):
                            off = base + u * LANES
                            dx = xs[pl.ds(off, LANES)] - qxv
                            dy = ys[pl.ds(off, LANES)] - qyv
                            dz = zs[pl.ds(off, LANES)] - qzv
                            d2 = dx * dx + dy * dy + dz * dz
                            dvals.append((dx, dy, dz))
                            msks.append(d2 < R2)
                        anyhit = jnp.any(msks[0] | msks[1] | msks[2] | msks[3])

                        def on_hit():
                            cntv = jnp.full((LANES,), cnt, _i32)
                            for u in range(BQ_UNROLL):
                                dx, dy, dz = dvals[u]
                                msk = msks[u]
                                pos = cntv + plsc.cumsum(ones, mask=msk) - 1
                                smask = msk & (pos < KNB)
                                plsc.store_scatter(bx, [pos, mlv], dx,
                                                   mask=smask)
                                plsc.store_scatter(by, [pos, mlv], dy,
                                                   mask=smask)
                                plsc.store_scatter(bz, [pos, mlv], dz,
                                                   mask=smask)
                                cntv = cntv + plsc.all_reduce_population_count(
                                    msk)
                            return cntv[0]

                        return (j + 1, lax.cond(anyhit, on_hit, lambda: cnt))

                    _, cnt = lax.while_loop(cond, body,
                                            (jnp.int32(0), jnp.int32(0)))

                    cntv = jnp.full((LANES,), cnt, _i32)
                    zi = jnp.zeros((LANES,), _i32)
                    d0x = plsc.load_gather(bx, [zi, mlv])
                    d0y = plsc.load_gather(by, [zi, mlv])
                    d0z = plsc.load_gather(bz, [zi, mlv])
                    for kk in range(KNB // LANES):
                        kvec = iota + kk * LANES
                        fm = kvec >= cntv
                        plsc.store_scatter(bx, [kvec, mlv], d0x, mask=fm)
                        plsc.store_scatter(by, [kvec, mlv], d0y, mask=fm)
                        plsc.store_scatter(bz, [kvec, mlv], d0z, mask=fm)
                    return carry2

                lax.fori_loop(0, CHUNKQ, q_body, 0)
                col = cidx * CHUNKQ
                pltpu.sync_copy(bx, dpx_h.at[f, :, pl.ds(col, CHUNKQ)])
                pltpu.sync_copy(by, dpy_h.at[f, :, pl.ds(col, CHUNKQ)])
                pltpu.sync_copy(bz, dpz_h.at[f, :, pl.ds(col, CHUNKQ)])
                return carry

            lax.fori_loop(0, NCHUNK, chunk_body, 0)

    return sc_kernel


def _tc_mlp_body(dx_ref, dy_ref, dz_ref, wd_ref, w1_ref, out_ref):
    wd = wd_ref[...]
    w1 = w1_ref[...]
    dxa = dx_ref[0]
    dya = dy_ref[0]
    dza = dz_ref[0]
    dn = (((1,), (0,)), ((), ()))
    acc = jnp.zeros((64, MPT), _f32)
    for k in range(KNB):
        dk = jnp.concatenate(
            [dxa[k:k + 1], dya[k:k + 1], dza[k:k + 1]], axis=0)
        h1 = jnp.maximum(
            lax.dot_general(wd, dk, dn, precision=lax.Precision.HIGHEST,
                            preferred_element_type=_f32), 0.0)
        h2 = jnp.maximum(
            lax.dot_general(w1, h1, dn, precision=lax.Precision.HIGHEST,
                            preferred_element_type=_f32), 0.0)
        acc = jnp.maximum(acc, h2)
    out_ref[0] = acc


def _build_tc_mlp():
    return pl.pallas_call(
        _tc_mlp_body,
        grid=(NFRAME,),
        in_specs=[
            pl.BlockSpec((1, KNB, MPT), lambda f: (f, 0, 0)),
            pl.BlockSpec((1, KNB, MPT), lambda f: (f, 0, 0)),
            pl.BlockSpec((1, KNB, MPT), lambda f: (f, 0, 0)),
            pl.BlockSpec((32, 3), lambda f: (0, 0)),
            pl.BlockSpec((64, 32), lambda f: (0, 0)),
        ],
        out_specs=pl.BlockSpec((1, 64, MPT), lambda f: (f, 0, 0)),
        out_shape=jax.ShapeDtypeStruct((NFRAME, 64, MPT), _f32),
    )


_SC_KERNEL = _build_sc_kernel()
_TC_MLP = _build_tc_mlp()


@jax.jit
def kernel(xyzs, W_d, W1):
    B, T, N, _ = xyzs.shape
    pts = xyzs.reshape(B * T, N, 3)
    xs = pts[:, :, 0]
    ys = pts[:, :, 1]
    zs = pts[:, :, 2]
    rfx, rfy, rfz, dpx, dpy, dpz = _SC_KERNEL(xs, ys, zs)
    feat = _TC_MLP(dpx, dpy, dpz, W_d[:, :3], W1)
    new_xyzs = jnp.stack([rfx, rfy, rfz], axis=-1).reshape(B, T, N // 4, 3)
    new_feats = feat.reshape(B, T, 64, N // 4)
    return new_xyzs, new_feats

# --- scband reference (transcript-rebuilt; emitter-appended) ---
"""Pipeline reference for scband-point-spatial-conv-34205119545795 (READ-ONLY COPY).

The authoritative reference and input builder live on the scoring server;
editing this copy changes nothing except your own understanding.
"""

import jax, jax.numpy as jnp
import numpy as np

R = 0.9
K = 32
STRIDE = 4

def fps(xyz, npoint):
    # xyz: [B, N, 3] -> idx [B, npoint] int32 (furthest point sampling, start at index 0)
    B, N, _ = xyz.shape
    def body(i, state):
        idxs, dists, farthest = state
        idxs = idxs.at[:, i].set(farthest)
        centroid = jnp.take_along_axis(xyz, farthest[:, None, None], axis=1)  # [B,1,3]
        d = jnp.sum((xyz - centroid) ** 2, axis=-1)  # [B,N]
        dists = jnp.minimum(dists, d)
        farthest = jnp.argmax(dists, axis=-1).astype(jnp.int32)
        return (idxs, dists, farthest)
    idxs0 = jnp.zeros((B, npoint), dtype=jnp.int32)
    dists0 = jnp.full((B, N), 1e10, dtype=jnp.float32)
    far0 = jnp.zeros((B,), dtype=jnp.int32)
    idxs, _, _ = jax.lax.fori_loop(0, npoint, body, (idxs0, dists0, far0))
    return idxs

def ball_query(r, k, xyz, new_xyz):
    # xyz [B,N,3], new_xyz [B,M,3] -> idx [B,M,k], first-k-in-radius, pad with first valid
    N = xyz.shape[1]
    d2 = jnp.sum((new_xyz[:, :, None, :] - xyz[:, None, :, :]) ** 2, axis=-1)  # [B,M,N]
    mask = d2 < (r * r)
    score = jnp.where(mask, jnp.arange(N, dtype=jnp.int32)[None, None, :], N)
    idx_sorted = jnp.sort(score, axis=-1)[..., :k]  # valid indices first, in index order
    first = idx_sorted[..., :1]
    idx = jnp.where(idx_sorted == N, first, idx_sorted)
    return idx.astype(jnp.int32)

def setup_inputs(seed: int = 0) -> dict:
    key = jax.random.key(seed)
    k1, k2, k3 = jax.random.split(key, 3)
    xyzs = jax.random.normal(k1, (4, 3, 4096, 3), dtype=jnp.float32)
    W_d = jax.random.normal(k2, (32, 4), dtype=jnp.float32) * 0.1   # conv_d 1x1 weight [out=32, in=4]
    W1 = jax.random.normal(k3, (64, 32), dtype=jnp.float32) * 0.1   # mlp 1x1 weight [out=64, in=32]
    return {"xyzs": xyzs, "W_d": W_d, "W1": W1}

def reference(xyzs, W_d, W1):
    B, T, N, _ = xyzs.shape
    M = N // STRIDE
    new_xyzs, new_feats = [], []
    for t in range(T):
        xyz = xyzs[:, t]                                   # [B,N,3]
        ref_idx = fps(xyz, M)                              # [B,M]
        xyz_t = jnp.transpose(xyz, (0, 2, 1))              # [B,3,N]
        ref_flip = jnp.take_along_axis(xyz_t, ref_idx[:, None, :], axis=2)  # [B,3,M]
        ref_xyz = jnp.transpose(ref_flip, (0, 2, 1))       # [B,M,3]
        idx = ball_query(R, K, xyz, ref_xyz)               # [B,M,K]
        grouped = jnp.take_along_axis(xyz_t, idx.reshape(B, 1, M * K), axis=2).reshape(B, 3, M, K)
        disp = grouped - ref_flip[:, :, :, None]           # [B,3,M,K]
        disp = jnp.concatenate([disp, jnp.zeros((B, 1, M, K), dtype=disp.dtype)], axis=1)  # [B,4,M,K]
        h = jax.nn.relu(jnp.einsum('oc,bcmk->bomk', W_d, disp))   # conv_d + ReLU
        h = jax.nn.relu(jnp.einsum('oc,bcmk->bomk', W1, h))       # mlp + ReLU
        feat = jnp.max(h, axis=-1)                         # [B,64,M]
        new_xyzs.append(ref_xyz)
        new_feats.append(feat)
    return (jnp.stack(new_xyzs, axis=1), jnp.stack(new_feats, axis=1))

if __name__ == "__main__":
    import jax
    _d = setup_inputs()
    print(jax.jit(kernel)(*tuple(_d.values())))

</pallas_src>

<mosaic_0001>
#map = affine_map<(d0, d1) -> (0, 0)>
#map1 = affine_map<(d0, d1) -> (0, 0, 0)>
module attributes {stable_mosaic.version = 14 : i64} {
  func.func @sc_kernel(%arg0: i32, %arg1: i32, %arg2: memref<12x4096xf32, #tpu.memory_space<hbm>>, %arg3: memref<12x4096xf32, #tpu.memory_space<hbm>>, %arg4: memref<12x4096xf32, #tpu.memory_space<hbm>>, %arg5: memref<12x1024xf32, #tpu.memory_space<hbm>>, %arg6: memref<12x1024xf32, #tpu.memory_space<hbm>>, %arg7: memref<12x1024xf32, #tpu.memory_space<hbm>>, %arg8: memref<12x32x1024xf32, #tpu.memory_space<hbm>>, %arg9: memref<12x32x1024xf32, #tpu.memory_space<hbm>>, %arg10: memref<12x32x1024xf32, #tpu.memory_space<hbm>>, %arg11: memref<4096xf32, #tpu.memory_space<vmem>>, %arg12: memref<4096xf32, #tpu.memory_space<vmem>>, %arg13: memref<4096xf32, #tpu.memory_space<vmem>>, %arg14: memref<4096xf32, #tpu.memory_space<vmem>>, %arg15: memref<1024xf32, #tpu.memory_space<vmem>>, %arg16: memref<1024xf32, #tpu.memory_space<vmem>>, %arg17: memref<1024xf32, #tpu.memory_space<vmem>>, %arg18: memref<32x128xf32, #tpu.memory_space<vmem>>, %arg19: memref<32x128xf32, #tpu.memory_space<vmem>>, %arg20: memref<32x128xf32, #tpu.memory_space<vmem>>) attributes {dimension_semantics = [#tpu.dimension_semantics<core_parallel>, #tpu.dimension_semantics<subcore_parallel>], iteration_bounds = array<i64: 2, 16>, scalar_prefetch = 0 : i64, scratch_operands = 10 : i64, tpu.core_type = #tpu.core_type<sc_vector_subcore>, window_params = [{transform_indices = #map}, {transform_indices = #map}, {transform_indices = #map}, {transform_indices = #map}, {transform_indices = #map}, {transform_indices = #map}, {transform_indices = #map1}, {transform_indices = #map1}, {transform_indices = #map1}]} {
    %mul3A = arith.constant 2 : i32
    %mul3A_0 = arith.muli %arg1, %mul3A : i32
    %add3A = arith.addi %mul3A_0, %arg0 : i32
    %lt3A = arith.constant 12 : i32
    %lt3A_1 = arith.cmpi slt, %add3A, %lt3A : i32
    %convert_element_type3A = arith.extui %lt3A_1 : i1 to i32
    %cond3A = arith.constant 0 : i32
    %cond3A_2 = arith.cmpi ne, %convert_element_type3A, %cond3A : i32
    scf.if %cond3A_2 {
      "tpu.region"() ({
        %run_scoped3A = tpu.sem_alloc : memref<!tpu.dma_semaphore, #tpu.memory_space<semaphore_mem>>
        %dma_start3A = arith.constant 0 : i32
        %dma_start3A_22 = tpu.memref_slice %arg2[%add3A, %dma_start3A] : memref<12x4096xf32, #tpu.memory_space<hbm>> -> memref<1x4096xf32, #tpu.memory_space<hbm>>
        %dma_start3A_23 = tpu.memref_squeeze %dma_start3A_22 : memref<1x4096xf32, #tpu.memory_space<hbm>> -> memref<4096xf32, #tpu.memory_space<hbm>>
        %dma_start3A_24 = arith.constant 0 : i32
        %dma_start3A_25 = tpu.memref_slice %arg2[%add3A, %dma_start3A_24] : memref<12x4096xf32, #tpu.memory_space<hbm>> -> memref<1x4096xf32, #tpu.memory_space<hbm>>
        %dma_start3A_26 = tpu.memref_squeeze %dma_start3A_25 : memref<1x4096xf32, #tpu.memory_space<hbm>> -> memref<4096xf32, #tpu.memory_space<hbm>>
        tpu.enqueue_dma source(%dma_start3A_26 : memref<4096xf32, #tpu.memory_space<hbm>>) target(%arg11 : memref<4096xf32, #tpu.memory_space<vmem>>) target_semaphore(%run_scoped3A : memref<!tpu.dma_semaphore, #tpu.memory_space<semaphore_mem>>)
        %dma_wait3A = arith.constant 0 : i32
        %dma_wait3A_27 = tpu.memref_slice %arg2[%add3A, %dma_wait3A] : memref<12x4096xf32, #tpu.memory_space<hbm>> -> memref<1x4096xf32, #tpu.memory_space<hbm>>
        %dma_wait3A_28 = tpu.memref_squeeze %dma_wait3A_27 : memref<1x4096xf32, #tpu.memory_space<hbm>> -> memref<4096xf32, #tpu.memory_space<hbm>>
        %dma_wait3A_29 = arith.constant 0 : i32
        %dma_wait3A_30 = tpu.memref_slice %arg2[%add3A, %dma_wait3A_29] : memref<12x4096xf32, #tpu.memory_space<hbm>> -> memref<1x4096xf32, #tpu.memory_space<hbm>>
        %dma_wait3A_31 = tpu.memref_squeeze %dma_wait3A_30 : memref<1x4096xf32, #tpu.memory_space<hbm>> -> memref<4096xf32, #tpu.memory_space<hbm>>
        tpu.wait_dma2 semaphore(%run_scoped3A : memref<!tpu.dma_semaphore, #tpu.memory_space<semaphore_mem>>) src(%dma_wait3A_31 : memref<4096xf32, #tpu.memory_space<hbm>>) dst(%arg11 : memref<4096xf32, #tpu.memory_space<vmem>>)
        tpu.yield
      }) : () -> ()
      "tpu.region"() ({
        %run_scoped3A = tpu.sem_alloc : memref<!tpu.dma_semaphore, #tpu.memory_space<semaphore_mem>>
        %dma_start3A = arith.constant 0 : i32
        %dma_start3A_22 = tpu.memref_slice %arg3[%add3A, %dma_start3A] : memref<12x4096xf32, #tpu.memory_space<hbm>> -> memref<1x4096xf32, #tpu.memory_space<hbm>>
        %dma_start3A_23 = tpu.memref_squeeze %dma_start3A_22 : memref<1x4096xf32, #tpu.memory_space<hbm>> -> memref<4096xf32, #tpu.memory_space<hbm>>
        %dma_start3A_24 = arith.constant 0 : i32
        %dma_start3A_25 = tpu.memref_slice %arg3[%add3A, %dma_start3A_24] : memref<12x4096xf32, #tpu.memory_space<hbm>> -> memref<1x4096xf32, #tpu.memory_space<hbm>>
        %dma_start3A_26 = tpu.memref_squeeze %dma_start3A_25 : memref<1x4096xf32, #tpu.memory_space<hbm>> -> memref<4096xf32, #tpu.memory_space<hbm>>
        tpu.enqueue_dma source(%dma_start3A_26 : memref<4096xf32, #tpu.memory_space<hbm>>) target(%arg12 : memref<4096xf32, #tpu.memory_space<vmem>>) target_semaphore(%run_scoped3A : memref<!tpu.dma_semaphore, #tpu.memory_space<semaphore_mem>>)
        %dma_wait3A = arith.constant 0 : i32
        %dma_wait3A_27 = tpu.memref_slice %arg3[%add3A, %dma_wait3A] : memref<12x4096xf32, #tpu.memory_space<hbm>> -> memref<1x4096xf32, #tpu.memory_space<hbm>>
        %dma_wait3A_28 = tpu.memref_squeeze %dma_wait3A_27 : memref<1x4096xf32, #tpu.memory_space<hbm>> -> memref<4096xf32, #tpu.memory_space<hbm>>
        %dma_wait3A_29 = arith.constant 0 : i32
        %dma_wait3A_30 = tpu.memref_slice %arg3[%add3A, %dma_wait3A_29] : memref<12x4096xf32, #tpu.memory_space<hbm>> -> memref<1x4096xf32, #tpu.memory_space<hbm>>
        %dma_wait3A_31 = tpu.memref_squeeze %dma_wait3A_30 : memref<1x4096xf32, #tpu.memory_space<hbm>> -> memref<4096xf32, #tpu.memory_space<hbm>>
        tpu.wait_dma2 semaphore(%run_scoped3A : memref<!tpu.dma_semaphore, #tpu.memory_space<semaphore_mem>>) src(%dma_wait3A_31 : memref<4096xf32, #tpu.memory_space<hbm>>) dst(%arg12 : memref<4096xf32, #tpu.memory_space<vmem>>)
        tpu.yield
      }) : () -> ()
      "tpu.region"() ({
        %run_scoped3A = tpu.sem_alloc : memref<!tpu.dma_semaphore, #tpu.memory_space<semaphore_mem>>
        %dma_start3A = arith.constant 0 : i32
        %dma_start3A_22 = tpu.memref_slice %arg4[%add3A, %dma_start3A] : memref<12x4096xf32, #tpu.memory_space<hbm>> -> memref<1x4096xf32, #tpu.memory_space<hbm>>
        %dma_start3A_23 = tpu.memref_squeeze %dma_start3A_22 : memref<1x4096xf32, #tpu.memory_space<hbm>> -> memref<4096xf32, #tpu.memory_space<hbm>>
        %dma_start3A_24 = arith.constant 0 : i32
        %dma_start3A_25 = tpu.memref_slice %arg4[%add3A, %dma_start3A_24] : memref<12x4096xf32, #tpu.memory_space<hbm>> -> memref<1x4096xf32, #tpu.memory_space<hbm>>
        %dma_start3A_26 = tpu.memref_squeeze %dma_start3A_25 : memref<1x4096xf32, #tpu.memory_space<hbm>> -> memref<4096xf32, #tpu.memory_space<hbm>>
        tpu.enqueue_dma source(%dma_start3A_26 : memref<4096xf32, #tpu.memory_space<hbm>>) target(%arg13 : memref<4096xf32, #tpu.memory_space<vmem>>) target_semaphore(%run_scoped3A : memref<!tpu.dma_semaphore, #tpu.memory_space<semaphore_mem>>)
        %dma_wait3A = arith.constant 0 : i32
        %dma_wait3A_27 = tpu.memref_slice %arg4[%add3A, %dma_wait3A] : memref<12x4096xf32, #tpu.memory_space<hbm>> -> memref<1x4096xf32, #tpu.memory_space<hbm>>
        %dma_wait3A_28 = tpu.memref_squeeze %dma_wait3A_27 : memref<1x4096xf32, #tpu.memory_space<hbm>> -> memref<4096xf32, #tpu.memory_space<hbm>>
        %dma_wait3A_29 = arith.constant 0 : i32
        %dma_wait3A_30 = tpu.memref_slice %arg4[%add3A, %dma_wait3A_29] : memref<12x4096xf32, #tpu.memory_space<hbm>> -> memref<1x4096xf32, #tpu.memory_space<hbm>>
        %dma_wait3A_31 = tpu.memref_squeeze %dma_wait3A_30 : memref<1x4096xf32, #tpu.memory_space<hbm>> -> memref<4096xf32, #tpu.memory_space<hbm>>
        tpu.wait_dma2 semaphore(%run_scoped3A : memref<!tpu.dma_semaphore, #tpu.memory_space<semaphore_mem>>) src(%dma_wait3A_31 : memref<4096xf32, #tpu.memory_space<hbm>>) dst(%arg13 : memref<4096xf32, #tpu.memory_space<vmem>>)
        tpu.yield
      }) : () -> ()
      %iota3A = tpu.iota {dimensions = array<i32: 0>} : vector<16xi32>
      %eq3A = arith.constant 0 : i32
      %eq3A_3 = vector.broadcast %eq3A : i32 to vector<16xi32>
      %eq3A_4 = arith.cmpi eq, %iota3A, %eq3A_3 : vector<16xi32>
      %broadcast_in_dim3A = arith.constant 1.000000e+10 : f32
      %broadcast_in_dim3A_5 = vector.broadcast %broadcast_in_dim3A : f32 to vector<16xf32>
      %parallel_loop3A = arith.constant 0 : i32
      %parallel_loop3A_6 = arith.constant 256 : i32
      %parallel_loop3A_7 = arith.constant 1 : i32
      scf.for %parallel_loop3A_22 = %parallel_loop3A to %parallel_loop3A_6 step %parallel_loop3A_7  : i32 {
        %parallel_loop3A_23 = arith.constant 16 : i32
        %parallel_loop3A_24 = arith.muli %parallel_loop3A_22, %parallel_loop3A_23 : i32
        %parallel_loop3A_25 = arith.index_cast %parallel_loop3A_24 : i32 to index
        %parallel_loop3A_26 = tpu.vector_load %arg14[%parallel_loop3A_25] {strides = array<i32>} : memref<4096xf32, #tpu.memory_space<vmem>>, vector<16xf32>,
        tpu.vector_store %arg14[%parallel_loop3A_25], %broadcast_in_dim3A_5 {strides = array<i32>} : memref<4096xf32, #tpu.memory_space<vmem>>, vector<16xf32>,
      } {sc.loop_unroll_factor = 8 : i64, sc.parallel_access}
      %scan3A = arith.constant 0 : i32
      %scan3A_8 = arith.constant 0 : i32
      %scan3A_9 = arith.constant 1024 : i32
      %scan3A_10 = arith.addi %scan3A_8, %scan3A_9 : i32
      %scan3A_11 = arith.constant 1 : i32
      %scan3A_12 = scf.for %scan3A_22 = %scan3A_8 to %scan3A_10 step %scan3A_11 iter_args(%scan3A_23 = %scan3A) -> (i32)  : i32 {
        %broadcast_in_dim3A_24 = vector.broadcast %scan3A_23 : i32 to vector<16xi32>
        %gather3A = tpu.vector_load_idx %arg11[%broadcast_in_dim3A_24] : memref<4096xf32, #tpu.memory_space<vmem>>[vector<16xi32>], vector<16xf32>,
        %gather3A_25 = tpu.vector_load_idx %arg12[%broadcast_in_dim3A_24] : memref<4096xf32, #tpu.memory_space<vmem>>[vector<16xi32>], vector<16xf32>,
        %gather3A_26 = tpu.vector_load_idx %arg13[%broadcast_in_dim3A_24] : memref<4096xf32, #tpu.memory_space<vmem>>[vector<16xi32>], vector<16xf32>,
        %broadcast_in_dim3A_27 = vector.broadcast %scan3A_22 : i32 to vector<16xi32>
        tpu.vector_store_idx %arg15[%broadcast_in_dim3A_27], %gather3A masked %eq3A_4 : memref<1024xf32, #tpu.memory_space<vmem>>[vector<16xi32>], vector<16xf32>, vector<16xi1>
        tpu.vector_store_idx %arg16[%broadcast_in_dim3A_27], %gather3A_25 masked %eq3A_4 : memref<1024xf32, #tpu.memory_space<vmem>>[vector<16xi32>], vector<16xf32>, vector<16xi1>
        tpu.vector_store_idx %arg17[%broadcast_in_dim3A_27], %gather3A_26 masked %eq3A_4 : memref<1024xf32, #tpu.memory_space<vmem>>[vector<16xi32>], vector<16xf32>, vector<16xi1>
        %broadcast_in_dim3A_28 = arith.constant -1.000000e+00 : f32
        %broadcast_in_dim3A_29 = vector.broadcast %broadcast_in_dim3A_28 : f32 to vector<16xf32>
        %broadcast_in_dim3A_30 = arith.constant 0 : i32
        %broadcast_in_dim3A_31 = vector.broadcast %broadcast_in_dim3A_30 : i32 to vector<16xi32>
        %parallel_loop3A_32 = arith.constant 0 : i32
        %parallel_loop3A_33 = arith.constant 64 : i32
        %parallel_loop3A_34 = arith.constant 1 : i32
        %parallel_loop3A_35:8 = scf.for %parallel_loop3A_68 = %parallel_loop3A_32 to %parallel_loop3A_33 step %parallel_loop3A_34 iter_args(%parallel_loop3A_69 = %broadcast_in_dim3A_29, %parallel_loop3A_70 = %broadcast_in_dim3A_29, %parallel_loop3A_71 = %broadcast_in_dim3A_29, %parallel_loop3A_72 = %broadcast_in_dim3A_29, %parallel_loop3A_73 = %broadcast_in_dim3A_31, %parallel_loop3A_74 = %broadcast_in_dim3A_31, %parallel_loop3A_75 = %broadcast_in_dim3A_31, %parallel_loop3A_76 = %broadcast_in_dim3A_31) -> (vector<16xf32>, vector<16xf32>, vector<16xf32>, vector<16xf32>, vector<16xi32>, vector<16xi32>, vector<16xi32>, vector<16xi32>)  : i32 {
          %parallel_loop3A_77 = arith.constant 64 : i32
          %parallel_loop3A_78 = arith.muli %parallel_loop3A_68, %parallel_loop3A_77 : i32
          %parallel_loop3A_79 = arith.constant 0 : i32
          %parallel_loop3A_80 = arith.addi %parallel_loop3A_78, %parallel_loop3A_79 : i32
          %parallel_loop3A_81 = arith.index_cast %parallel_loop3A_80 : i32 to index
          %parallel_loop3A_82 = tpu.vector_load %arg11[%parallel_loop3A_81] {strides = array<i32>} : memref<4096xf32, #tpu.memory_space<vmem>>, vector<16xf32>,
          %parallel_loop3A_83 = arith.subf %parallel_loop3A_82, %gather3A : vector<16xf32>
          %parallel_loop3A_84 = arith.index_cast %parallel_loop3A_80 : i32 to index
          %parallel_loop3A_85 = tpu.vector_load %arg12[%parallel_loop3A_84] {strides = array<i32>} : memref<4096xf32, #tpu.memory_space<vmem>>, vector<16xf32>,
          %parallel_loop3A_86 = arith.subf %parallel_loop3A_85, %gather3A_25 : vector<16xf32>
          %parallel_loop3A_87 = arith.index_cast %parallel_loop3A_80 : i32 to index
          %parallel_loop3A_88 = tpu.vector_load %arg13[%parallel_loop3A_87] {strides = array<i32>} : memref<4096xf32, #tpu.memory_space<vmem>>, vector<16xf32>,
          %parallel_loop3A_89 = arith.subf %parallel_loop3A_88, %gather3A_26 : vector<16xf32>
          %parallel_loop3A_90 = arith.mulf %parallel_loop3A_83, %parallel_loop3A_83 : vector<16xf32>
          %parallel_loop3A_91 = arith.mulf %parallel_loop3A_86, %parallel_loop3A_86 : vector<16xf32>
          %parallel_loop3A_92 = arith.addf %parallel_loop3A_90, %parallel_loop3A_91 : vector<16xf32>
          %parallel_loop3A_93 = arith.mulf %parallel_loop3A_89, %parallel_loop3A_89 : vector<16xf32>
          %parallel_loop3A_94 = arith.addf %parallel_loop3A_92, %parallel_loop3A_93 : vector<16xf32>
          %parallel_loop3A_95 = arith.index_cast %parallel_loop3A_80 : i32 to index
          %parallel_loop3A_96 = tpu.vector_load %arg14[%parallel_loop3A_95] {strides = array<i32>} : memref<4096xf32, #tpu.memory_space<vmem>>, vector<16xf32>,
          %parallel_loop3A_97 = arith.minimumf %parallel_loop3A_96, %parallel_loop3A_94 : vector<16xf32>
          %parallel_loop3A_98 = arith.index_cast %parallel_loop3A_80 : i32 to index
          %parallel_loop3A_99 = tpu.vector_load %arg14[%parallel_loop3A_98] {strides = array<i32>} : memref<4096xf32, #tpu.memory_space<vmem>>, vector<16xf32>,
          tpu.vector_store %arg14[%parallel_loop3A_98], %parallel_loop3A_97 {strides = array<i32>} : memref<4096xf32, #tpu.memory_space<vmem>>, vector<16xf32>,
          %parallel_loop3A_100 = arith.cmpf ogt, %parallel_loop3A_97, %parallel_loop3A_69 : vector<16xf32>
          %parallel_loop3A_101 = arith.select %parallel_loop3A_100, %parallel_loop3A_97, %parallel_loop3A_69 : vector<16xi1>, vector<16xf32>
          %parallel_loop3A_102 = vector.broadcast %parallel_loop3A_80 : i32 to vector<16xi32>
          %parallel_loop3A_103 = arith.addi %iota3A, %parallel_loop3A_102 : vector<16xi32>
          %parallel_loop3A_104 = arith.select %parallel_loop3A_100, %parallel_loop3A_103, %parallel_loop3A_73 : vector<16xi1>, vector<16xi32>
          %parallel_loop3A_105 = arith.constant 16 : i32
          %parallel_loop3A_106 = arith.addi %parallel_loop3A_78, %parallel_loop3A_105 : i32
          %parallel_loop3A_107 = arith.index_cast %parallel_loop3A_106 : i32 to index
          %parallel_loop3A_108 = tpu.vector_load %arg11[%parallel_loop3A_107] {strides = array<i32>} : memref<4096xf32, #tpu.memory_space<vmem>>, vector<16xf32>,
          %parallel_loop3A_109 = arith.subf %parallel_loop3A_108, %gather3A : vector<16xf32>
          %parallel_loop3A_110 = arith.index_cast %parallel_loop3A_106 : i32 to index
          %parallel_loop3A_111 = tpu.vector_load %arg12[%parallel_loop3A_110] {strides = array<i32>} : memref<4096xf32, #tpu.memory_space<vmem>>, vector<16xf32>,
          %parallel_loop3A_112 = arith.subf %parallel_loop3A_111, %gather3A_25 : vector<16xf32>
          %parallel_loop3A_113 = arith.index_cast %parallel_loop3A_106 : i32 to index
          %parallel_loop3A_114 = tpu.vector_load %arg13[%parallel_loop3A_113] {strides = array<i32>} : memref<4096xf32, #tpu.memory_space<vmem>>, vector<16xf32>,
          %parallel_loop3A_115 = arith.subf %parallel_loop3A_114, %gather3A_26 : vector<16xf32>
          %parallel_loop3A_116 = arith.mulf %parallel_loop3A_109, %parallel_loop3A_109 : vector<16xf32>
          %parallel_loop3A_117 = arith.mulf %parallel_loop3A_112, %parallel_loop3A_112 : vector<16xf32>
          %parallel_loop3A_118 = arith.addf %parallel_loop3A_116, %parallel_loop3A_117 : vector<16xf32>
          %parallel_loop3A_119 = arith.mulf %parallel_loop3A_115, %parallel_loop3A_115 : vector<16xf32>
          %parallel_loop3A_120 = arith.addf %parallel_loop3A_118, %parallel_loop3A_119 : vector<16xf32>
          %parallel_loop3A_121 = arith.index_cast %parallel_loop3A_106 : i32 to index
          %parallel_loop3A_122 = tpu.vector_load %arg14[%parallel_loop3A_121] {strides = array<i32>} : memref<4096xf32, #tpu.memory_space<vmem>>, vector<16xf32>,
          %parallel_loop3A_123 = arith.minimumf %parallel_loop3A_122, %parallel_loop3A_120 : vector<16xf32>
          %parallel_loop3A_124 = arith.index_cast %parallel_loop3A_106 : i32 to index
          %parallel_loop3A_125 = tpu.vector_load %arg14[%parallel_loop3A_124] {strides = array<i32>} : memref<4096xf32, #tpu.memory_space<vmem>>, vector<16xf32>,
          tpu.vector_store %arg14[%parallel_loop3A_124], %parallel_loop3A_123 {strides = array<i32>} : memref<4096xf32, #tpu.memory_space<vmem>>, vector<16xf32>,
          %parallel_loop3A_126 = arith.cmpf ogt, %parallel_loop3A_123, %parallel_loop3A_70 : vector<16xf32>
          %parallel_loop3A_127 = arith.select %parallel_loop3A_126, %parallel_loop3A_123, %parallel_loop3A_70 : vector<16xi1>, vector<16xf32>
          %parallel_loop3A_128 = vector.broadcast %parallel_loop3A_106 : i32 to vector<16xi32>
          %parallel_loop3A_129 = arith.addi %iota3A, %parallel_loop3A_128 : vector<16xi32>
          %parallel_loop3A_130 = arith.select %parallel_loop3A_126, %parallel_loop3A_129, %parallel_loop3A_74 : vector<16xi1>, vector<16xi32>
          %parallel_loop3A_131 = arith.constant 32 : i32
          %parallel_loop3A_132 = arith.addi %parallel_loop3A_78, %parallel_loop3A_131 : i32
          %parallel_loop3A_133 = arith.index_cast %parallel_loop3A_132 : i32 to index
          %parallel_loop3A_134 = tpu.vector_load %arg11[%parallel_loop3A_133] {strides = array<i32>} : memref<4096xf32, #tpu.memory_space<vmem>>, vector<16xf32>,
          %parallel_loop3A_135 = arith.subf %parallel_loop3A_134, %gather3A : vector<16xf32>
          %parallel_loop3A_136 = arith.index_cast %parallel_loop3A_132 : i32 to index
          %parallel_loop3A_137 = tpu.vector_load %arg12[%parallel_loop3A_136] {strides = array<i32>} : memref<4096xf32, #tpu.memory_space<vmem>>, vector<16xf32>,
          %parallel_loop3A_138 = arith.subf %parallel_loop3A_137, %gather3A_25 : vector<16xf32>
          %parallel_loop3A_139 = arith.index_cast %parallel_loop3A_132 : i32 to index
          %parallel_loop3A_140 = tpu.vector_load %arg13[%parallel_loop3A_139] {strides = array<i32>} : memref<4096xf32, #tpu.memory_space<vmem>>, vector<16xf32>,
          %parallel_loop3A_141 = arith.subf %parallel_loop3A_140, %gather3A_26 : vector<16xf32>
          %parallel_loop3A_142 = arith.mulf %parallel_loop3A_135, %parallel_loop3A_135 : vector<16xf32>
          %parallel_loop3A_143 = arith.mulf %parallel_loop3A_138, %parallel_loop3A_138 : vector<16xf32>
          %parallel_loop3A_144 = arith.addf %parallel_loop3A_142, %parallel_loop3A_143 : vector<16xf32>
          %parallel_loop3A_145 = arith.mulf %parallel_loop3A_141, %parallel_loop3A_141 : vector<16xf32>
          %parallel_loop3A_146 = arith.addf %parallel_loop3A_144, %parallel_loop3A_145 : vector<16xf32>
          %parallel_loop3A_147 = arith.index_cast %parallel_loop3A_132 : i32 to index
          %parallel_loop3A_148 = tpu.vector_load %arg14[%parallel_loop3A_147] {strides = array<i32>} : memref<4096xf32, #tpu.memory_space<vmem>>, vector<16xf32>,
          %parallel_loop3A_149 = arith.minimumf %parallel_loop3A_148, %parallel_loop3A_146 : vector<16xf32>
          %parallel_loop3A_150 = arith.index_cast %parallel_loop3A_132 : i32 to index
          %parallel_loop3A_151 = tpu.vector_load %arg14[%parallel_loop3A_150] {strides = array<i32>} : memref<4096xf32, #tpu.memory_space<vmem>>, vector<16xf32>,
          tpu.vector_store %arg14[%parallel_loop3A_150], %parallel_loop3A_149 {strides = array<i32>} : memref<4096xf32, #tpu.memory_space<vmem>>, vector<16xf32>,
          %parallel_loop3A_152 = arith.cmpf ogt, %parallel_loop3A_149, %parallel_loop3A_71 : vector<16xf32>
          %parallel_loop3A_153 = arith.select %parallel_loop3A_152, %parallel_loop3A_149, %parallel_loop3A_71 : vector<16xi1>, vector<16xf32>
          %parallel_loop3A_154 = vector.broadcast %parallel_loop3A_132 : i32 to vector<16xi32>
          %parallel_loop3A_155 = arith.addi %iota3A, %parallel_loop3A_154 : vector<16xi32>
          %parallel_loop3A_156 = arith.select %parallel_loop3A_152, %parallel_loop3A_155, %parallel_loop3A_75 : vector<16xi1>, vector<16xi32>
          %parallel_loop3A_157 = arith.constant 48 : i32
          %parallel_loop3A_158 = arith.addi %parallel_loop3A_78, %parallel_loop3A_157 : i32
          %parallel_loop3A_159 = arith.index_cast %parallel_loop3A_158 : i32 to index
          %parallel_loop3A_160 = tpu.vector_load %arg11[%parallel_loop3A_159] {strides = array<i32>} : memref<4096xf32, #tpu.memory_space<vmem>>, vector<16xf32>,
          %parallel_loop3A_161 = arith.subf %parallel_loop3A_160, %gather3A : vector<16xf32>
          %parallel_loop3A_162 = arith.index_cast %parallel_loop3A_158 : i32 to index
          %parallel_loop3A_163 = tpu.vector_load %arg12[%parallel_loop3A_162] {strides = array<i32>} : memref<4096xf32, #tpu.memory_space<vmem>>, vector<16xf32>,
          %parallel_loop3A_164 = arith.subf %parallel_loop3A_163, %gather3A_25 : vector<16xf32>
          %parallel_loop3A_165 = arith.index_cast %parallel_loop3A_158 : i32 to index
          %parallel_loop3A_166 = tpu.vector_load %arg13[%parallel_loop3A_165] {strides = array<i32>} : memref<4096xf32, #tpu.memory_space<vmem>>, vector<16xf32>,
          %parallel_loop3A_167 = arith.subf %parallel_loop3A_166, %gather3A_26 : vector<16xf32>
          %parallel_loop3A_168 = arith.mulf %parallel_loop3A_161, %parallel_loop3A_161 : vector<16xf32>
          %parallel_loop3A_169 = arith.mulf %parallel_loop3A_164, %parallel_loop3A_164 : vector<16xf32>
          %parallel_loop3A_170 = arith.addf %parallel_loop3A_168, %parallel_loop3A_169 : vector<16xf32>
          %parallel_loop3A_171 = arith.mulf %parallel_loop3A_167, %parallel_loop3A_167 : vector<16xf32>
          %parallel_loop3A_172 = arith.addf %parallel_loop3A_170, %parallel_loop3A_171 : vector<16xf32>
          %parallel_loop3A_173 = arith.index_cast %parallel_loop3A_158 : i32 to index
          %parallel_loop3A_174 = tpu.vector_load %arg14[%parallel_loop3A_173] {strides = array<i32>} : memref<4096xf32, #tpu.memory_space<vmem>>, vector<16xf32>,
          %parallel_loop3A_175 = arith.minimumf %parallel_loop3A_174, %parallel_loop3A_172 : vector<16xf32>
          %parallel_loop3A_176 = arith.index_cast %parallel_loop3A_158 : i32 to index
          %parallel_loop3A_177 = tpu.vector_load %arg14[%parallel_loop3A_176] {strides = array<i32>} : memref<4096xf32, #tpu.memory_space<vmem>>, vector<16xf32>,
          tpu.vector_store %arg14[%parallel_loop3A_176], %parallel_loop3A_175 {strides = array<i32>} : memref<4096xf32, #tpu.memory_space<vmem>>, vector<16xf32>,
          %parallel_loop3A_178 = arith.cmpf ogt, %parallel_loop3A_175, %parallel_loop3A_72 : vector<16xf32>
          %parallel_loop3A_179 = arith.select %parallel_loop3A_178, %parallel_loop3A_175, %parallel_loop3A_72 : vector<16xi1>, vector<16xf32>
          %parallel_loop3A_180 = vector.broadcast %parallel_loop3A_158 : i32 to vector<16xi32>
          %parallel_loop3A_181 = arith.addi %iota3A, %parallel_loop3A_180 : vector<16xi32>
          %parallel_loop3A_182 = arith.select %parallel_loop3A_178, %parallel_loop3A_181, %parallel_loop3A_76 : vector<16xi1>, vector<16xi32>
          scf.yield %parallel_loop3A_101, %parallel_loop3A_127, %parallel_loop3A_153, %parallel_loop3A_179, %parallel_loop3A_104, %parallel_loop3A_130, %parallel_loop3A_156, %parallel_loop3A_182 : vector<16xf32>, vector<16xf32>, vector<16xf32>, vector<16xf32>, vector<16xi32>, vector<16xi32>, vector<16xi32>, vector<16xi32>
        } {sc.loop_unroll_factor = 4 : i64, sc.parallel_access}
        %gt3A = arith.cmpf ogt, %parallel_loop3A_35#1, %parallel_loop3A_35#0 : vector<16xf32>
        %eq3A_36 = arith.cmpf oeq, %parallel_loop3A_35#1, %parallel_loop3A_35#0 : vector<16xf32>
        %lt3A_37 = arith.cmpi slt, %parallel_loop3A_35#5, %parallel_loop3A_35#4 : vector<16xi32>
        %and3A = arith.andi %eq3A_36, %lt3A_37 : vector<16xi1>
        %or3A = arith.ori %gt3A, %and3A : vector<16xi1>
        %select_n3A = arith.select %or3A, %parallel_loop3A_35#1, %parallel_loop3A_35#0 : vector<16xi1>, vector<16xf32>
        %select_n3A_38 = arith.select %or3A, %parallel_loop3A_35#5, %parallel_loop3A_35#4 : vector<16xi1>, vector<16xi32>
        %gt3A_39 = arith.cmpf ogt, %parallel_loop3A_35#3, %parallel_loop3A_35#2 : vector<16xf32>
        %eq3A_40 = arith.cmpf oeq, %parallel_loop3A_35#3, %parallel_loop3A_35#2 : vector<16xf32>
        %lt3A_41 = arith.cmpi slt, %parallel_loop3A_35#7, %parallel_loop3A_35#6 : vector<16xi32>
        %and3A_42 = arith.andi %eq3A_40, %lt3A_41 : vector<16xi1>
        %or3A_43 = arith.ori %gt3A_39, %and3A_42 : vector<16xi1>
        %select_n3A_44 = arith.select %or3A_43, %parallel_loop3A_35#3, %parallel_loop3A_35#2 : vector<16xi1>, vector<16xf32>
        %select_n3A_45 = arith.select %or3A_43, %parallel_loop3A_35#7, %parallel_loop3A_35#6 : vector<16xi1>, vector<16xi32>
        %gt3A_46 = arith.cmpf ogt, %select_n3A_44, %select_n3A : vector<16xf32>
        %eq3A_47 = arith.cmpf oeq, %select_n3A_44, %select_n3A : vector<16xf32>
        %lt3A_48 = arith.cmpi slt, %select_n3A_45, %select_n3A_38 : vector<16xi32>
        %and3A_49 = arith.andi %eq3A_47, %lt3A_48 : vector<16xi1>
        %or3A_50 = arith.ori %gt3A_46, %and3A_49 : vector<16xi1>
        %select_n3A_51 = arith.select %or3A_50, %select_n3A_44, %select_n3A : vector<16xi1>, vector<16xf32>
        %select_n3A_52 = arith.select %or3A_50, %select_n3A_45, %select_n3A_38 : vector<16xi1>, vector<16xi32>
        %reduce_max3A = arith.constant true
        %reduce_max3A_53 = vector.broadcast %reduce_max3A : i1 to vector<16xi1>
        %reduce_max3A_54 = tpu.scan <max>, %select_n3A_51 masked %reduce_max3A_53 : vector<16xf32>, vector<16xi1> -> vector<16xf32>
        %reduce_max3A_55 = vector.extract %reduce_max3A_54[15] : f32 from vector<16xf32>
        %eq3A_56 = vector.broadcast %reduce_max3A_55 : f32 to vector<16xf32>
        %eq3A_57 = arith.cmpf oeq, %select_n3A_51, %eq3A_56 : vector<16xf32>
        %broadcast_in_dim3A_58 = arith.constant 1073741824 : i32
        %broadcast_in_dim3A_59 = vector.broadcast %broadcast_in_dim3A_58 : i32 to vector<16xi32>
        %select_n3A_60 = arith.select %eq3A_57, %select_n3A_52, %broadcast_in_dim3A_59 : vector<16xi1>, vector<16xi32>
        %reduce_min3A = arith.constant true
        %reduce_min3A_61 = vector.broadcast %reduce_min3A : i1 to vector<16xi1>
        %reduce_min3A_62 = arith.constant -2147483648 : i32
        %reduce_min3A_63 = vector.broadcast %reduce_min3A_62 : i32 to vector<16xi32>
        %reduce_min3A_64 = arith.xori %select_n3A_60, %reduce_min3A_63 : vector<16xi32>
        %reduce_min3A_65 = tpu.scan <min>, %reduce_min3A_64 masked %reduce_min3A_61 : vector<16xi32>, vector<16xi1> -> vector<16xi32>
        %reduce_min3A_66 = arith.xori %reduce_min3A_65, %reduce_min3A_63 : vector<16xi32>
        %reduce_min3A_67 = vector.extract %reduce_min3A_66[15] : i32 from vector<16xi32>
        scf.yield %reduce_min3A_67 : i32
      }
      %scan3A_13 = arith.constant 1024 : i32
      "tpu.region"() ({
        %run_scoped3A = tpu.sem_alloc : memref<!tpu.dma_semaphore, #tpu.memory_space<semaphore_mem>>
        %dma_start3A = arith.constant 0 : i32
        %dma_start3A_22 = tpu.memref_slice %arg5[%add3A, %dma_start3A] : memref<12x1024xf32, #tpu.memory_space<hbm>> -> memref<1x1024xf32, #tpu.memory_space<hbm>>
        %dma_start3A_23 = tpu.memref_squeeze %dma_start3A_22 : memref<1x1024xf32, #tpu.memory_space<hbm>> -> memref<1024xf32, #tpu.memory_space<hbm>>
        %dma_start3A_24 = arith.constant 0 : i32
        %dma_start3A_25 = tpu.memref_slice %arg5[%add3A, %dma_start3A_24] : memref<12x1024xf32, #tpu.memory_space<hbm>> -> memref<1x1024xf32, #tpu.memory_space<hbm>>
        %dma_start3A_26 = tpu.memref_squeeze %dma_start3A_25 : memref<1x1024xf32, #tpu.memory_space<hbm>> -> memref<1024xf32, #tpu.memory_space<hbm>>
        tpu.enqueue_dma source(%arg15 : memref<1024xf32, #tpu.memory_space<vmem>>) target(%dma_start3A_26 : memref<1024xf32, #tpu.memory_space<hbm>>) target_semaphore(%run_scoped3A : memref<!tpu.dma_semaphore, #tpu.memory_space<semaphore_mem>>)
        %dma_wait3A = arith.constant 0 : i32
        %dma_wait3A_27 = tpu.memref_slice %arg5[%add3A, %dma_wait3A] : memref<12x1024xf32, #tpu.memory_space<hbm>> -> memref<1x1024xf32, #tpu.memory_space<hbm>>
        %dma_wait3A_28 = tpu.memref_squeeze %dma_wait3A_27 : memref<1x1024xf32, #tpu.memory_space<hbm>> -> memref<1024xf32, #tpu.memory_space<hbm>>
        %dma_wait3A_29 = arith.constant 0 : i32
        %dma_wait3A_30 = tpu.memref_slice %arg5[%add3A, %dma_wait3A_29] : memref<12x1024xf32, #tpu.memory_space<hbm>> -> memref<1x1024xf32, #tpu.memory_space<hbm>>
        %dma_wait3A_31 = tpu.memref_squeeze %dma_wait3A_30 : memref<1x1024xf32, #tpu.memory_space<hbm>> -> memref<1024xf32, #tpu.memory_space<hbm>>
        tpu.wait_dma2 semaphore(%run_scoped3A : memref<!tpu.dma_semaphore, #tpu.memory_space<semaphore_mem>>) src(%arg15 : memref<1024xf32, #tpu.memory_space<vmem>>) dst(%dma_wait3A_31 : memref<1024xf32, #tpu.memory_space<hbm>>)
        tpu.yield
      }) : () -> ()
      "tpu.region"() ({
        %run_scoped3A = tpu.sem_alloc : memref<!tpu.dma_semaphore, #tpu.memory_space<semaphore_mem>>
        %dma_start3A = arith.constant 0 : i32
        %dma_start3A_22 = tpu.memref_slice %arg6[%add3A, %dma_start3A] : memref<12x1024xf32, #tpu.memory_space<hbm>> -> memref<1x1024xf32, #tpu.memory_space<hbm>>
        %dma_start3A_23 = tpu.memref_squeeze %dma_start3A_22 : memref<1x1024xf32, #tpu.memory_space<hbm>> -> memref<1024xf32, #tpu.memory_space<hbm>>
        %dma_start3A_24 = arith.constant 0 : i32
        %dma_start3A_25 = tpu.memref_slice %arg6[%add3A, %dma_start3A_24] : memref<12x1024xf32, #tpu.memory_space<hbm>> -> memref<1x1024xf32, #tpu.memory_space<hbm>>
        %dma_start3A_26 = tpu.memref_squeeze %dma_start3A_25 : memref<1x1024xf32, #tpu.memory_space<hbm>> -> memref<1024xf32, #tpu.memory_space<hbm>>
        tpu.enqueue_dma source(%arg16 : memref<1024xf32, #tpu.memory_space<vmem>>) target(%dma_start3A_26 : memref<1024xf32, #tpu.memory_space<hbm>>) target_semaphore(%run_scoped3A : memref<!tpu.dma_semaphore, #tpu.memory_space<semaphore_mem>>)
        %dma_wait3A = arith.constant 0 : i32
        %dma_wait3A_27 = tpu.memref_slice %arg6[%add3A, %dma_wait3A] : memref<12x1024xf32, #tpu.memory_space<hbm>> -> memref<1x1024xf32, #tpu.memory_space<hbm>>
        %dma_wait3A_28 = tpu.memref_squeeze %dma_wait3A_27 : memref<1x1024xf32, #tpu.memory_space<hbm>> -> memref<1024xf32, #tpu.memory_space<hbm>>
        %dma_wait3A_29 = arith.constant 0 : i32
        %dma_wait3A_30 = tpu.memref_slice %arg6[%add3A, %dma_wait3A_29] : memref<12x1024xf32, #tpu.memory_space<hbm>> -> memref<1x1024xf32, #tpu.memory_space<hbm>>
        %dma_wait3A_31 = tpu.memref_squeeze %dma_wait3A_30 : memref<1x1024xf32, #tpu.memory_space<hbm>> -> memref<1024xf32, #tpu.memory_space<hbm>>
        tpu.wait_dma2 semaphore(%run_scoped3A : memref<!tpu.dma_semaphore, #tpu.memory_space<semaphore_mem>>) src(%arg16 : memref<1024xf32, #tpu.memory_space<vmem>>) dst(%dma_wait3A_31 : memref<1024xf32, #tpu.memory_space<hbm>>)
        tpu.yield
      }) : () -> ()
      "tpu.region"() ({
        %run_scoped3A = tpu.sem_alloc : memref<!tpu.dma_semaphore, #tpu.memory_space<semaphore_mem>>
        %dma_start3A = arith.constant 0 : i32
        %dma_start3A_22 = tpu.memref_slice %arg7[%add3A, %dma_start3A] : memref<12x1024xf32, #tpu.memory_space<hbm>> -> memref<1x1024xf32, #tpu.memory_space<hbm>>
        %dma_start3A_23 = tpu.memref_squeeze %dma_start3A_22 : memref<1x1024xf32, #tpu.memory_space<hbm>> -> memref<1024xf32, #tpu.memory_space<hbm>>
        %dma_start3A_24 = arith.constant 0 : i32
        %dma_start3A_25 = tpu.memref_slice %arg7[%add3A, %dma_start3A_24] : memref<12x1024xf32, #tpu.memory_space<hbm>> -> memref<1x1024xf32, #tpu.memory_space<hbm>>
        %dma_start3A_26 = tpu.memref_squeeze %dma_start3A_25 : memref<1x1024xf32, #tpu.memory_space<hbm>> -> memref<1024xf32, #tpu.memory_space<hbm>>
        tpu.enqueue_dma source(%arg17 : memref<1024xf32, #tpu.memory_space<vmem>>) target(%dma_start3A_26 : memref<1024xf32, #tpu.memory_space<hbm>>) target_semaphore(%run_scoped3A : memref<!tpu.dma_semaphore, #tpu.memory_space<semaphore_mem>>)
        %dma_wait3A = arith.constant 0 : i32
        %dma_wait3A_27 = tpu.memref_slice %arg7[%add3A, %dma_wait3A] : memref<12x1024xf32, #tpu.memory_space<hbm>> -> memref<1x1024xf32, #tpu.memory_space<hbm>>
        %dma_wait3A_28 = tpu.memref_squeeze %dma_wait3A_27 : memref<1x1024xf32, #tpu.memory_space<hbm>> -> memref<1024xf32, #tpu.memory_space<hbm>>
        %dma_wait3A_29 = arith.constant 0 : i32
        %dma_wait3A_30 = tpu.memref_slice %arg7[%add3A, %dma_wait3A_29] : memref<12x1024xf32, #tpu.memory_space<hbm>> -> memref<1x1024xf32, #tpu.memory_space<hbm>>
        %dma_wait3A_31 = tpu.memref_squeeze %dma_wait3A_30 : memref<1x1024xf32, #tpu.memory_space<hbm>> -> memref<1024xf32, #tpu.memory_space<hbm>>
        tpu.wait_dma2 semaphore(%run_scoped3A : memref<!tpu.dma_semaphore, #tpu.memory_space<semaphore_mem>>) src(%arg17 : memref<1024xf32, #tpu.memory_space<vmem>>) dst(%dma_wait3A_31 : memref<1024xf32, #tpu.memory_space<hbm>>)
        tpu.yield
      }) : () -> ()
      %broadcast_in_dim3A_14 = arith.constant 1 : i32
      %broadcast_in_dim3A_15 = vector.broadcast %broadcast_in_dim3A_14 : i32 to vector<16xi32>
      %scan3A_16 = arith.constant 0 : i32
      %scan3A_17 = arith.constant 0 : i32
      %scan3A_18 = arith.constant 8 : i32
      %scan3A_19 = arith.addi %scan3A_17, %scan3A_18 : i32
      %scan3A_20 = arith.constant 1 : i32
      scf.for %scan3A_22 = %scan3A_17 to %scan3A_19 step %scan3A_20  : i32 {
        %scan3A_23 = arith.constant 0 : i32
        %scan3A_24 = arith.constant 0 : i32
        %scan3A_25 = arith.constant 128 : i32
        %scan3A_26 = arith.addi %scan3A_24, %scan3A_25 : i32
        %scan3A_27 = arith.constant 1 : i32
        scf.for %scan3A_31 = %scan3A_24 to %scan3A_26 step %scan3A_27  : i32 {
          %mul3A_32 = arith.constant 128 : i32
          %mul3A_33 = arith.muli %scan3A_22, %mul3A_32 : i32
          %add3A_34 = arith.addi %mul3A_33, %scan3A_31 : i32
          %broadcast_in_dim3A_35 = vector.broadcast %add3A_34 : i32 to vector<16xi32>
          %gather3A = tpu.vector_load_idx %arg15[%broadcast_in_dim3A_35] : memref<1024xf32, #tpu.memory_space<vmem>>[vector<16xi32>], vector<16xf32>,
          %gather3A_36 = tpu.vector_load_idx %arg16[%broadcast_in_dim3A_35] : memref<1024xf32, #tpu.memory_space<vmem>>[vector<16xi32>], vector<16xf32>,
          %gather3A_37 = tpu.vector_load_idx %arg17[%broadcast_in_dim3A_35] : memref<1024xf32, #tpu.memory_space<vmem>>[vector<16xi32>], vector<16xf32>,
          %broadcast_in_dim3A_38 = vector.broadcast %scan3A_31 : i32 to vector<16xi32>
          %while3A = arith.constant 0 : i32
          %while3A_39 = arith.constant 0 : i32
          %while3A_40:2 = scf.while (%while3A_54 = %while3A, %while3A_55 = %while3A_39) : (i32, i32) -> (i32, i32) {
            %lt3A_56 = arith.constant 32 : i32
            %lt3A_57 = arith.cmpi slt, %while3A_55, %lt3A_56 : i32
            %lt3A_58 = arith.constant 64 : i32
            %lt3A_59 = arith.cmpi slt, %while3A_54, %lt3A_58 : i32
            %and3A = arith.andi %lt3A_57, %lt3A_59 : i1
            scf.condition(%and3A) %while3A_54, %while3A_55 : i32, i32
          } do {
          ^bb0(%while3A_54: i32, %while3A_55: i32):
            %mul3A_56 = arith.constant 64 : i32
            %mul3A_57 = arith.muli %while3A_54, %mul3A_56 : i32
            %add3A_58 = arith.constant 0 : i32
            %add3A_59 = arith.addi %mul3A_57, %add3A_58 : i32
            %get3A = arith.index_cast %add3A_59 : i32 to index
            %get3A_60 = tpu.vector_load %arg11[%get3A] {strides = array<i32>} : memref<4096xf32, #tpu.memory_space<vmem>>, vector<16xf32>,
            %sub3A = arith.subf %get3A_60, %gather3A : vector<16xf32>
            %get3A_61 = arith.index_cast %add3A_59 : i32 to index
            %get3A_62 = tpu.vector_load %arg12[%get3A_61] {strides = array<i32>} : memref<4096xf32, #tpu.memory_space<vmem>>, vector<16xf32>,
            %sub3A_63 = arith.subf %get3A_62, %gather3A_36 : vector<16xf32>
            %get3A_64 = arith.index_cast %add3A_59 : i32 to index
            %get3A_65 = tpu.vector_load %arg13[%get3A_64] {strides = array<i32>} : memref<4096xf32, #tpu.memory_space<vmem>>, vector<16xf32>,
            %sub3A_66 = arith.subf %get3A_65, %gather3A_37 : vector<16xf32>
            %mul3A_67 = arith.mulf %sub3A, %sub3A : vector<16xf32>
            %mul3A_68 = arith.mulf %sub3A_63, %sub3A_63 : vector<16xf32>
            %add3A_69 = arith.addf %mul3A_67, %mul3A_68 : vector<16xf32>
            %mul3A_70 = arith.mulf %sub3A_66, %sub3A_66 : vector<16xf32>
            %add3A_71 = arith.addf %add3A_69, %mul3A_70 : vector<16xf32>
            %lt3A_72 = arith.constant 8.100000e-01 : f32
            %lt3A_73 = vector.broadcast %lt3A_72 : f32 to vector<16xf32>
            %lt3A_74 = arith.cmpf olt, %add3A_71, %lt3A_73 : vector<16xf32>
            %add3A_75 = arith.constant 16 : i32
            %add3A_76 = arith.addi %mul3A_57, %add3A_75 : i32
            %get3A_77 = arith.index_cast %add3A_76 : i32 to index
            %get3A_78 = tpu.vector_load %arg11[%get3A_77] {strides = array<i32>} : memref<4096xf32, #tpu.memory_space<vmem>>, vector<16xf32>,
            %sub3A_79 = arith.subf %get3A_78, %gather3A : vector<16xf32>
            %get3A_80 = arith.index_cast %add3A_76 : i32 to index
            %get3A_81 = tpu.vector_load %arg12[%get3A_80] {strides = array<i32>} : memref<4096xf32, #tpu.memory_space<vmem>>, vector<16xf32>,
            %sub3A_82 = arith.subf %get3A_81, %gather3A_36 : vector<16xf32>
            %get3A_83 = arith.index_cast %add3A_76 : i32 to index
            %get3A_84 = tpu.vector_load %arg13[%get3A_83] {strides = array<i32>} : memref<4096xf32, #tpu.memory_space<vmem>>, vector<16xf32>,
            %sub3A_85 = arith.subf %get3A_84, %gather3A_37 : vector<16xf32>
            %mul3A_86 = arith.mulf %sub3A_79, %sub3A_79 : vector<16xf32>
            %mul3A_87 = arith.mulf %sub3A_82, %sub3A_82 : vector<16xf32>
            %add3A_88 = arith.addf %mul3A_86, %mul3A_87 : vector<16xf32>
            %mul3A_89 = arith.mulf %sub3A_85, %sub3A_85 : vector<16xf32>
            %add3A_90 = arith.addf %add3A_88, %mul3A_89 : vector<16xf32>
            %lt3A_91 = arith.constant 8.100000e-01 : f32
            %lt3A_92 = vector.broadcast %lt3A_91 : f32 to vector<16xf32>
            %lt3A_93 = arith.cmpf olt, %add3A_90, %lt3A_92 : vector<16xf32>
            %add3A_94 = arith.constant 32 : i32
            %add3A_95 = arith.addi %mul3A_57, %add3A_94 : i32
            %get3A_96 = arith.index_cast %add3A_95 : i32 to index
            %get3A_97 = tpu.vector_load %arg11[%get3A_96] {strides = array<i32>} : memref<4096xf32, #tpu.memory_space<vmem>>, vector<16xf32>,
            %sub3A_98 = arith.subf %get3A_97, %gather3A : vector<16xf32>
            %get3A_99 = arith.index_cast %add3A_95 : i32 to index
            %get3A_100 = tpu.vector_load %arg12[%get3A_99] {strides = array<i32>} : memref<4096xf32, #tpu.memory_space<vmem>>, vector<16xf32>,
            %sub3A_101 = arith.subf %get3A_100, %gather3A_36 : vector<16xf32>
            %get3A_102 = arith.index_cast %add3A_95 : i32 to index
            %get3A_103 = tpu.vector_load %arg13[%get3A_102] {strides = array<i32>} : memref<4096xf32, #tpu.memory_space<vmem>>, vector<16xf32>,
            %sub3A_104 = arith.subf %get3A_103, %gather3A_37 : vector<16xf32>
            %mul3A_105 = arith.mulf %sub3A_98, %sub3A_98 : vector<16xf32>
            %mul3A_106 = arith.mulf %sub3A_101, %sub3A_101 : vector<16xf32>
            %add3A_107 = arith.addf %mul3A_105, %mul3A_106 : vector<16xf32>
            %mul3A_108 = arith.mulf %sub3A_104, %sub3A_104 : vector<16xf32>
            %add3A_109 = arith.addf %add3A_107, %mul3A_108 : vector<16xf32>
            %lt3A_110 = arith.constant 8.100000e-01 : f32
            %lt3A_111 = vector.broadcast %lt3A_110 : f32 to vector<16xf32>
            %lt3A_112 = arith.cmpf olt, %add3A_109, %lt3A_111 : vector<16xf32>
            %add3A_113 = arith.constant 48 : i32
            %add3A_114 = arith.addi %mul3A_57, %add3A_113 : i32
            %get3A_115 = arith.index_cast %add3A_114 : i32 to index
            %get3A_116 = tpu.vector_load %arg11[%get3A_115] {strides = array<i32>} : memref<4096xf32, #tpu.memory_space<vmem>>, vector<16xf32>,
            %sub3A_117 = arith.subf %get3A_116, %gather3A : vector<16xf32>
            %get3A_118 = arith.index_cast %add3A_114 : i32 to index
            %get3A_119 = tpu.vector_load %arg12[%get3A_118] {strides = array<i32>} : memref<4096xf32, #tpu.memory_space<vmem>>, vector<16xf32>,
            %sub3A_120 = arith.subf %get3A_119, %gather3A_36 : vector<16xf32>
            %get3A_121 = arith.index_cast %add3A_114 : i32 to index
            %get3A_122 = tpu.vector_load %arg13[%get3A_121] {strides = array<i32>} : memref<4096xf32, #tpu.memory_space<vmem>>, vector<16xf32>,
            %sub3A_123 = arith.subf %get3A_122, %gather3A_37 : vector<16xf32>
            %mul3A_124 = arith.mulf %sub3A_117, %sub3A_117 : vector<16xf32>
            %mul3A_125 = arith.mulf %sub3A_120, %sub3A_120 : vector<16xf32>
            %add3A_126 = arith.addf %mul3A_124, %mul3A_125 : vector<16xf32>
            %mul3A_127 = arith.mulf %sub3A_123, %sub3A_123 : vector<16xf32>
            %add3A_128 = arith.addf %add3A_126, %mul3A_127 : vector<16xf32>
            %lt3A_129 = arith.constant 8.100000e-01 : f32
            %lt3A_130 = vector.broadcast %lt3A_129 : f32 to vector<16xf32>
            %lt3A_131 = arith.cmpf olt, %add3A_128, %lt3A_130 : vector<16xf32>
            %or3A = arith.ori %lt3A_74, %lt3A_93 : vector<16xi1>
            %or3A_132 = arith.ori %or3A, %lt3A_112 : vector<16xi1>
            %or3A_133 = arith.ori %or3A_132, %lt3A_131 : vector<16xi1>
            %reduce_or3A = arith.constant 1.000000e+00 : f32
            %reduce_or3A_134 = arith.constant 0.000000e+00 : f32
            %reduce_or3A_135 = vector.broadcast %reduce_or3A : f32 to vector<16xf32>
            %reduce_or3A_136 = vector.broadcast %reduce_or3A_134 : f32 to vector<16xf32>
            %reduce_or3A_137 = arith.select %or3A_133, %reduce_or3A_135, %reduce_or3A_136 : vector<16xi1>, vector<16xf32>
            %reduce_or3A_138 = arith.constant true
            %reduce_or3A_139 = vector.broadcast %reduce_or3A_138 : i1 to vector<16xi1>
            %reduce_or3A_140 = tpu.scan <max>, %reduce_or3A_137 masked %reduce_or3A_139 : vector<16xf32>, vector<16xi1> -> vector<16xf32>
            %reduce_or3A_141 = vector.extract %reduce_or3A_140[15] : f32 from vector<16xf32>
            %reduce_or3A_142 = arith.constant 0.000000e+00 : f32
            %reduce_or3A_143 = arith.cmpf ogt, %reduce_or3A_141, %reduce_or3A_142 : f32
            %add3A_144 = arith.constant 1 : i32
            %add3A_145 = arith.addi %while3A_54, %add3A_144 : i32
            %convert_element_type3A_146 = arith.extui %reduce_or3A_143 : i1 to i32
            %cond3A_147 = arith.constant 0 : i32
            %cond3A_148 = arith.cmpi ne, %convert_element_type3A_146, %cond3A_147 : i32
            %cond3A_149 = scf.if %cond3A_148 -> (i32) {
              %broadcast_in_dim3A_150 = vector.broadcast %while3A_55 : i32 to vector<16xi32>
              %masked_cumsum3A = tpu.scan <sum>, %broadcast_in_dim3A_15 masked %lt3A_74 : vector<16xi32>, vector<16xi1> -> vector<16xi32>
              %add3A_151 = arith.addi %broadcast_in_dim3A_150, %masked_cumsum3A : vector<16xi32>
              %sub3A_152 = arith.constant 1 : i32
              %sub3A_153 = vector.broadcast %sub3A_152 : i32 to vector<16xi32>
              %sub3A_154 = arith.subi %add3A_151, %sub3A_153 : vector<16xi32>
              %lt3A_155 = arith.constant 32 : i32
              %lt3A_156 = vector.broadcast %lt3A_155 : i32 to vector<16xi32>
              %lt3A_157 = arith.cmpi slt, %sub3A_154, %lt3A_156 : vector<16xi32>
              %and3A = arith.andi %lt3A_74, %lt3A_157 : vector<16xi1>
              tpu.vector_store_idx %arg18[%sub3A_154, %broadcast_in_dim3A_38], %sub3A masked %and3A : memref<32x128xf32, #tpu.memory_space<vmem>>[vector<16xi32>, vector<16xi32>], vector<16xf32>, vector<16xi1>
              tpu.vector_store_idx %arg19[%sub3A_154, %broadcast_in_dim3A_38], %sub3A_63 masked %and3A : memref<32x128xf32, #tpu.memory_space<vmem>>[vector<16xi32>, vector<16xi32>], vector<16xf32>, vector<16xi1>
              tpu.vector_store_idx %arg20[%sub3A_154, %broadcast_in_dim3A_38], %sub3A_66 masked %and3A : memref<32x128xf32, #tpu.memory_space<vmem>>[vector<16xi32>, vector<16xi32>], vector<16xf32>, vector<16xi1>
              %all_reduce_population_count3A = tpu.all_reduce %lt3A_74 {dim = 0 : i64, kind = #tpu.reduction_kind<sum>} : vector<16xi1> -> vector<16xi32>
              %add3A_158 = arith.addi %broadcast_in_dim3A_150, %all_reduce_population_count3A : vector<16xi32>
              %masked_cumsum3A_159 = tpu.scan <sum>, %broadcast_in_dim3A_15 masked %lt3A_93 : vector<16xi32>, vector<16xi1> -> vector<16xi32>
              %add3A_160 = arith.addi %add3A_158, %masked_cumsum3A_159 : vector<16xi32>
              %sub3A_161 = arith.constant 1 : i32
              %sub3A_162 = vector.broadcast %sub3A_161 : i32 to vector<16xi32>
              %sub3A_163 = arith.subi %add3A_160, %sub3A_162 : vector<16xi32>
              %lt3A_164 = arith.constant 32 : i32
              %lt3A_165 = vector.broadcast %lt3A_164 : i32 to vector<16xi32>
              %lt3A_166 = arith.cmpi slt, %sub3A_163, %lt3A_165 : vector<16xi32>
              %and3A_167 = arith.andi %lt3A_93, %lt3A_166 : vector<16xi1>
              tpu.vector_store_idx %arg18[%sub3A_163, %broadcast_in_dim3A_38], %sub3A_79 masked %and3A_167 : memref<32x128xf32, #tpu.memory_space<vmem>>[vector<16xi32>, vector<16xi32>], vector<16xf32>, vector<16xi1>
              tpu.vector_store_idx %arg19[%sub3A_163, %broadcast_in_dim3A_38], %sub3A_82 masked %and3A_167 : memref<32x128xf32, #tpu.memory_space<vmem>>[vector<16xi32>, vector<16xi32>], vector<16xf32>, vector<16xi1>
              tpu.vector_store_idx %arg20[%sub3A_163, %broadcast_in_dim3A_38], %sub3A_85 masked %and3A_167 : memref<32x128xf32, #tpu.memory_space<vmem>>[vector<16xi32>, vector<16xi32>], vector<16xf32>, vector<16xi1>
              %all_reduce_population_count3A_168 = tpu.all_reduce %lt3A_93 {dim = 0 : i64, kind = #tpu.reduction_kind<sum>} : vector<16xi1> -> vector<16xi32>
              %add3A_169 = arith.addi %add3A_158, %all_reduce_population_count3A_168 : vector<16xi32>
              %masked_cumsum3A_170 = tpu.scan <sum>, %broadcast_in_dim3A_15 masked %lt3A_112 : vector<16xi32>, vector<16xi1> -> vector<16xi32>
              %add3A_171 = arith.addi %add3A_169, %masked_cumsum3A_170 : vector<16xi32>
              %sub3A_172 = arith.constant 1 : i32
              %sub3A_173 = vector.broadcast %sub3A_172 : i32 to vector<16xi32>
              %sub3A_174 = arith.subi %add3A_171, %sub3A_173 : vector<16xi32>
              %lt3A_175 = arith.constant 32 : i32
              %lt3A_176 = vector.broadcast %lt3A_175 : i32 to vector<16xi32>
              %lt3A_177 = arith.cmpi slt, %sub3A_174, %lt3A_176 : vector<16xi32>
              %and3A_178 = arith.andi %lt3A_112, %lt3A_177 : vector<16xi1>
              tpu.vector_store_idx %arg18[%sub3A_174, %broadcast_in_dim3A_38], %sub3A_98 masked %and3A_178 : memref<32x128xf32, #tpu.memory_space<vmem>>[vector<16xi32>, vector<16xi32>], vector<16xf32>, vector<16xi1>
              tpu.vector_store_idx %arg19[%sub3A_174, %broadcast_in_dim3A_38], %sub3A_101 masked %and3A_178 : memref<32x128xf32, #tpu.memory_space<vmem>>[vector<16xi32>, vector<16xi32>], vector<16xf32>, vector<16xi1>
              tpu.vector_store_idx %arg20[%sub3A_174, %broadcast_in_dim3A_38], %sub3A_104 masked %and3A_178 : memref<32x128xf32, #tpu.memory_space<vmem>>[vector<16xi32>, vector<16xi32>], vector<16xf32>, vector<16xi1>
              %all_reduce_population_count3A_179 = tpu.all_reduce %lt3A_112 {dim = 0 : i64, kind = #tpu.reduction_kind<sum>} : vector<16xi1> -> vector<16xi32>
              %add3A_180 = arith.addi %add3A_169, %all_reduce_population_count3A_179 : vector<16xi32>
              %masked_cumsum3A_181 = tpu.scan <sum>, %broadcast_in_dim3A_15 masked %lt3A_131 : vector<16xi32>, vector<16xi1> -> vector<16xi32>
              %add3A_182 = arith.addi %add3A_180, %masked_cumsum3A_181 : vector<16xi32>
              %sub3A_183 = arith.constant 1 : i32
              %sub3A_184 = vector.broadcast %sub3A_183 : i32 to vector<16xi32>
              %sub3A_185 = arith.subi %add3A_182, %sub3A_184 : vector<16xi32>
              %lt3A_186 = arith.constant 32 : i32
              %lt3A_187 = vector.broadcast %lt3A_186 : i32 to vector<16xi32>
              %lt3A_188 = arith.cmpi slt, %sub3A_185, %lt3A_187 : vector<16xi32>
              %and3A_189 = arith.andi %lt3A_131, %lt3A_188 : vector<16xi1>
              tpu.vector_store_idx %arg18[%sub3A_185, %broadcast_in_dim3A_38], %sub3A_117 masked %and3A_189 : memref<32x128xf32, #tpu.memory_space<vmem>>[vector<16xi32>, vector<16xi32>], vector<16xf32>, vector<16xi1>
              tpu.vector_store_idx %arg19[%sub3A_185, %broadcast_in_dim3A_38], %sub3A_120 masked %and3A_189 : memref<32x128xf32, #tpu.memory_space<vmem>>[vector<16xi32>, vector<16xi32>], vector<16xf32>, vector<16xi1>
              tpu.vector_store_idx %arg20[%sub3A_185, %broadcast_in_dim3A_38], %sub3A_123 masked %and3A_189 : memref<32x128xf32, #tpu.memory_space<vmem>>[vector<16xi32>, vector<16xi32>], vector<16xf32>, vector<16xi1>
              %all_reduce_population_count3A_190 = tpu.all_reduce %lt3A_131 {dim = 0 : i64, kind = #tpu.reduction_kind<sum>} : vector<16xi1> -> vector<16xi32>
              %add3A_191 = arith.addi %add3A_180, %all_reduce_population_count3A_190 : vector<16xi32>
              %slice3A = vector.extract_strided_slice %add3A_191 {offsets = [0], sizes = [1], strides = [1]} : vector<16xi32> to vector<1xi32>
              %squeeze3A = vector.extract %slice3A[0] : i32 from vector<1xi32>
              scf.yield %squeeze3A : i32
            } else {
              scf.yield %while3A_55 : i32
            }
            scf.yield %add3A_145, %cond3A_149 : i32, i32
          }
          %broadcast_in_dim3A_41 = vector.broadcast %while3A_40#1 : i32 to vector<16xi32>
          %broadcast_in_dim3A_42 = arith.constant 0 : i32
          %broadcast_in_dim3A_43 = vector.broadcast %broadcast_in_dim3A_42 : i32 to vector<16xi32>
          %gather3A_44 = tpu.vector_load_idx %arg18[%broadcast_in_dim3A_43, %broadcast_in_dim3A_38] : memref<32x128xf32, #tpu.memory_space<vmem>>[vector<16xi32>, vector<16xi32>], vector<16xf32>,
          %gather3A_45 = tpu.vector_load_idx %arg19[%broadcast_in_dim3A_43, %broadcast_in_dim3A_38] : memref<32x128xf32, #tpu.memory_space<vmem>>[vector<16xi32>, vector<16xi32>], vector<16xf32>,
          %gather3A_46 = tpu.vector_load_idx %arg20[%broadcast_in_dim3A_43, %broadcast_in_dim3A_38] : memref<32x128xf32, #tpu.memory_space<vmem>>[vector<16xi32>, vector<16xi32>], vector<16xf32>,
          %add3A_47 = arith.constant 0 : i32
          %add3A_48 = vector.broadcast %add3A_47 : i32 to vector<16xi32>
          %add3A_49 = arith.addi %iota3A, %add3A_48 : vector<16xi32>
          %ge3A = arith.cmpi sge, %add3A_49, %broadcast_in_dim3A_41 : vector<16xi32>
          tpu.vector_store_idx %arg18[%add3A_49, %broadcast_in_dim3A_38], %gather3A_44 masked %ge3A : memref<32x128xf32, #tpu.memory_space<vmem>>[vector<16xi32>, vector<16xi32>], vector<16xf32>, vector<16xi1>
          tpu.vector_store_idx %arg19[%add3A_49, %broadcast_in_dim3A_38], %gather3A_45 masked %ge3A : memref<32x128xf32, #tpu.memory_space<vmem>>[vector<16xi32>, vector<16xi32>], vector<16xf32>, vector<16xi1>
          tpu.vector_store_idx %arg20[%add3A_49, %broadcast_in_dim3A_38], %gather3A_46 masked %ge3A : memref<32x128xf32, #tpu.memory_space<vmem>>[vector<16xi32>, vector<16xi32>], vector<16xf32>, vector<16xi1>
          %add3A_50 = arith.constant 16 : i32
          %add3A_51 = vector.broadcast %add3A_50 : i32 to vector<16xi32>
          %add3A_52 = arith.addi %iota3A, %add3A_51 : vector<16xi32>
          %ge3A_53 = arith.cmpi sge, %add3A_52, %broadcast_in_dim3A_41 : vector<16xi32>
          tpu.vector_store_idx %arg18[%add3A_52, %broadcast_in_dim3A_38], %gather3A_44 masked %ge3A_53 : memref<32x128xf32, #tpu.memory_space<vmem>>[vector<16xi32>, vector<16xi32>], vector<16xf32>, vector<16xi1>
          tpu.vector_store_idx %arg19[%add3A_52, %broadcast_in_dim3A_38], %gather3A_45 masked %ge3A_53 : memref<32x128xf32, #tpu.memory_space<vmem>>[vector<16xi32>, vector<16xi32>], vector<16xf32>, vector<16xi1>
          tpu.vector_store_idx %arg20[%add3A_52, %broadcast_in_dim3A_38], %gather3A_46 masked %ge3A_53 : memref<32x128xf32, #tpu.memory_space<vmem>>[vector<16xi32>, vector<16xi32>], vector<16xf32>, vector<16xi1>
        }
        %scan3A_28 = arith.constant 128 : i32
        %mul3A_29 = arith.constant 128 : i32
        %mul3A_30 = arith.muli %scan3A_22, %mul3A_29 : i32
        "tpu.region"() ({
          %run_scoped3A = tpu.sem_alloc : memref<!tpu.dma_semaphore, #tpu.memory_space<semaphore_mem>>
          %dma_start3A = arith.constant 0 : i32
          %dma_start3A_31 = tpu.memref_slice %arg8[%add3A, %dma_start3A, %mul3A_30] : memref<12x32x1024xf32, #tpu.memory_space<hbm>> -> memref<1x32x128xf32, #tpu.memory_space<hbm>>
          %dma_start3A_32 = tpu.memref_squeeze %dma_start3A_31 : memref<1x32x128xf32, #tpu.memory_space<hbm>> -> memref<32x128xf32, #tpu.memory_space<hbm>>
          %dma_start3A_33 = arith.constant 0 : i32
          %dma_start3A_34 = tpu.memref_slice %arg8[%add3A, %dma_start3A_33, %mul3A_30] : memref<12x32x1024xf32, #tpu.memory_space<hbm>> -> memref<1x32x128xf32, #tpu.memory_space<hbm>>
          %dma_start3A_35 = tpu.memref_squeeze %dma_start3A_34 : memref<1x32x128xf32, #tpu.memory_space<hbm>> -> memref<32x128xf32, #tpu.memory_space<hbm>>
          tpu.enqueue_dma source(%arg18 : memref<32x128xf32, #tpu.memory_space<vmem>>) target(%dma_start3A_35 : memref<32x128xf32, #tpu.memory_space<hbm>>) target_semaphore(%run_scoped3A : memref<!tpu.dma_semaphore, #tpu.memory_space<semaphore_mem>>)
          %dma_wait3A = arith.constant 0 : i32
          %dma_wait3A_36 = tpu.memref_slice %arg8[%add3A, %dma_wait3A, %mul3A_30] : memref<12x32x1024xf32, #tpu.memory_space<hbm>> -> memref<1x32x128xf32, #tpu.memory_space<hbm>>
          %dma_wait3A_37 = tpu.memref_squeeze %dma_wait3A_36 : memref<1x32x128xf32, #tpu.memory_space<hbm>> -> memref<32x128xf32, #tpu.memory_space<hbm>>
          %dma_wait3A_38 = arith.constant 0 : i32
          %dma_wait3A_39 = tpu.memref_slice %arg8[%add3A, %dma_wait3A_38, %mul3A_30] : memref<12x32x1024xf32, #tpu.memory_space<hbm>> -> memref<1x32x128xf32, #tpu.memory_space<hbm>>
          %dma_wait3A_40 = tpu.memref_squeeze %dma_wait3A_39 : memref<1x32x128xf32, #tpu.memory_space<hbm>> -> memref<32x128xf32, #tpu.memory_space<hbm>>
          tpu.wait_dma2 semaphore(%run_scoped3A : memref<!tpu.dma_semaphore, #tpu.memory_space<semaphore_mem>>) src(%arg18 : memref<32x128xf32, #tpu.memory_space<vmem>>) dst(%dma_wait3A_40 : memref<32x128xf32, #tpu.memory_space<hbm>>)
          tpu.yield
        }) : () -> ()
        "tpu.region"() ({
          %run_scoped3A = tpu.sem_alloc : memref<!tpu.dma_semaphore, #tpu.memory_space<semaphore_mem>>
          %dma_start3A = arith.constant 0 : i32
          %dma_start3A_31 = tpu.memref_slice %arg9[%add3A, %dma_start3A, %mul3A_30] : memref<12x32x1024xf32, #tpu.memory_space<hbm>> -> memref<1x32x128xf32, #tpu.memory_space<hbm>>
          %dma_start3A_32 = tpu.memref_squeeze %dma_start3A_31 : memref<1x32x128xf32, #tpu.memory_space<hbm>> -> memref<32x128xf32, #tpu.memory_space<hbm>>
          %dma_start3A_33 = arith.constant 0 : i32
          %dma_start3A_34 = tpu.memref_slice %arg9[%add3A, %dma_start3A_33, %mul3A_30] : memref<12x32x1024xf32, #tpu.memory_space<hbm>> -> memref<1x32x128xf32, #tpu.memory_space<hbm>>
          %dma_start3A_35 = tpu.memref_squeeze %dma_start3A_34 : memref<1x32x128xf32, #tpu.memory_space<hbm>> -> memref<32x128xf32, #tpu.memory_space<hbm>>
          tpu.enqueue_dma source(%arg19 : memref<32x128xf32, #tpu.memory_space<vmem>>) target(%dma_start3A_35 : memref<32x128xf32, #tpu.memory_space<hbm>>) target_semaphore(%run_scoped3A : memref<!tpu.dma_semaphore, #tpu.memory_space<semaphore_mem>>)
          %dma_wait3A = arith.constant 0 : i32
          %dma_wait3A_36 = tpu.memref_slice %arg9[%add3A, %dma_wait3A, %mul3A_30] : memref<12x32x1024xf32, #tpu.memory_space<hbm>> -> memref<1x32x128xf32, #tpu.memory_space<hbm>>
          %dma_wait3A_37 = tpu.memref_squeeze %dma_wait3A_36 : memref<1x32x128xf32, #tpu.memory_space<hbm>> -> memref<32x128xf32, #tpu.memory_space<hbm>>
          %dma_wait3A_38 = arith.constant 0 : i32
          %dma_wait3A_39 = tpu.memref_slice %arg9[%add3A, %dma_wait3A_38, %mul3A_30] : memref<12x32x1024xf32, #tpu.memory_space<hbm>> -> memref<1x32x128xf32, #tpu.memory_space<hbm>>
          %dma_wait3A_40 = tpu.memref_squeeze %dma_wait3A_39 : memref<1x32x128xf32, #tpu.memory_space<hbm>> -> memref<32x128xf32, #tpu.memory_space<hbm>>
          tpu.wait_dma2 semaphore(%run_scoped3A : memref<!tpu.dma_semaphore, #tpu.memory_space<semaphore_mem>>) src(%arg19 : memref<32x128xf32, #tpu.memory_space<vmem>>) dst(%dma_wait3A_40 : memref<32x128xf32, #tpu.memory_space<hbm>>)
          tpu.yield
        }) : () -> ()
        "tpu.region"() ({
          %run_scoped3A = tpu.sem_alloc : memref<!tpu.dma_semaphore, #tpu.memory_space<semaphore_mem>>
          %dma_start3A = arith.constant 0 : i32
          %dma_start3A_31 = tpu.memref_slice %arg10[%add3A, %dma_start3A, %mul3A_30] : memref<12x32x1024xf32, #tpu.memory_space<hbm>> -> memref<1x32x128xf32, #tpu.memory_space<hbm>>
          %dma_start3A_32 = tpu.memref_squeeze %dma_start3A_31 : memref<1x32x128xf32, #tpu.memory_space<hbm>> -> memref<32x128xf32, #tpu.memory_space<hbm>>
          %dma_start3A_33 = arith.constant 0 : i32
          %dma_start3A_34 = tpu.memref_slice %arg10[%add3A, %dma_start3A_33, %mul3A_30] : memref<12x32x1024xf32, #tpu.memory_space<hbm>> -> memref<1x32x128xf32, #tpu.memory_space<hbm>>
          %dma_start3A_35 = tpu.memref_squeeze %dma_start3A_34 : memref<1x32x128xf32, #tpu.memory_space<hbm>> -> memref<32x128xf32, #tpu.memory_space<hbm>>
          tpu.enqueue_dma source(%arg20 : memref<32x128xf32, #tpu.memory_space<vmem>>) target(%dma_start3A_35 : memref<32x128xf32, #tpu.memory_space<hbm>>) target_semaphore(%run_scoped3A : memref<!tpu.dma_semaphore, #tpu.memory_space<semaphore_mem>>)
          %dma_wait3A = arith.constant 0 : i32
          %dma_wait3A_36 = tpu.memref_slice %arg10[%add3A, %dma_wait3A, %mul3A_30] : memref<12x32x1024xf32, #tpu.memory_space<hbm>> -> memref<1x32x128xf32, #tpu.memory_space<hbm>>
          %dma_wait3A_37 = tpu.memref_squeeze %dma_wait3A_36 : memref<1x32x128xf32, #tpu.memory_space<hbm>> -> memref<32x128xf32, #tpu.memory_space<hbm>>
          %dma_wait3A_38 = arith.constant 0 : i32
          %dma_wait3A_39 = tpu.memref_slice %arg10[%add3A, %dma_wait3A_38, %mul3A_30] : memref<12x32x1024xf32, #tpu.memory_space<hbm>> -> memref<1x32x128xf32, #tpu.memory_space<hbm>>
          %dma_wait3A_40 = tpu.memref_squeeze %dma_wait3A_39 : memref<1x32x128xf32, #tpu.memory_space<hbm>> -> memref<32x128xf32, #tpu.memory_space<hbm>>
          tpu.wait_dma2 semaphore(%run_scoped3A : memref<!tpu.dma_semaphore, #tpu.memory_space<semaphore_mem>>) src(%arg20 : memref<32x128xf32, #tpu.memory_space<vmem>>) dst(%dma_wait3A_40 : memref<32x128xf32, #tpu.memory_space<hbm>>)
          tpu.yield
        }) : () -> ()
      }
      %scan3A_21 = arith.constant 8 : i32
    } else {
    }
    return
  }
}

module attributes {stable_mosaic.version = 14 : i64} {
  func.func @_tc_mlp_body(%arg0: i32, %arg1: memref<1x32x1024xf32, #tpu.memory_space<vmem>>, %arg2: memref<1x32x1024xf32, #tpu.memory_space<vmem>>, %arg3: memref<1x32x1024xf32, #tpu.memory_space<vmem>>, %arg4: memref<32x3xf32, #tpu.memory_space<vmem>>, %arg5: memref<64x32xf32, #tpu.memory_space<vmem>>, %arg6: memref<1x64x1024xf32, #tpu.memory_space<vmem>>) attributes {dimension_semantics = [#tpu.dimension_semantics<arbitrary>], iteration_bounds = array<i64: 12>, scalar_prefetch = 0 : i64, scratch_operands = 0 : i64, tpu.core_type = #tpu.core_type<tc>, window_params = [{transform_indices = @transform_0, window_bounds = array<i64: 1, 32, 1024>}, {transform_indices = @transform_1, window_bounds = array<i64: 1, 32, 1024>}, {transform_indices = @transform_2, window_bounds = array<i64: 1, 32, 1024>}, {pipeline_mode = #tpu.pipeline_mode<synchronous>, transform_indices = @transform_3, window_bounds = array<i64: 32, 3>}, {pipeline_mode = #tpu.pipeline_mode<synchronous>, transform_indices = @transform_4, window_bounds = array<i64: 64, 32>}, {transform_indices = @transform_5, window_bounds = array<i64: 1, 64, 1024>}]} {
    %get3A = arith.constant 0 : index
    %get3A_0 = arith.constant 0 : index
    %get3A_1 = vector.load %arg4[%get3A, %get3A_0] : memref<32x3xf32, #tpu.memory_space<vmem>>, vector<32x3xf32>
    %get3A_2 = arith.constant 0 : index
    %get3A_3 = arith.constant 0 : index
    %get3A_4 = vector.load %arg5[%get3A_2, %get3A_3] : memref<64x32xf32, #tpu.memory_space<vmem>>, vector<64x32xf32>
    %get3A_5 = arith.constant 0 : index
    %get3A_6 = arith.constant 0 : index
    %get3A_7 = arith.constant 0 : index
    %get3A_8 = vector.load %arg1[%get3A_5, %get3A_6, %get3A_7] : memref<1x32x1024xf32, #tpu.memory_space<vmem>>, vector<1x32x1024xf32>
    %get3A_9 = vector.shape_cast %get3A_8 : vector<1x32x1024xf32> to vector<32x1024xf32>
    %get3A_10 = arith.constant 0 : index
    %get3A_11 = arith.constant 0 : index
    %get3A_12 = arith.constant 0 : index
    %get3A_13 = vector.load %arg2[%get3A_10, %get3A_11, %get3A_12] : memref<1x32x1024xf32, #tpu.memory_space<vmem>>, vector<1x32x1024xf32>
    %get3A_14 = vector.shape_cast %get3A_13 : vector<1x32x1024xf32> to vector<32x1024xf32>
    %get3A_15 = arith.constant 0 : index
    %get3A_16 = arith.constant 0 : index
    %get3A_17 = arith.constant 0 : index
    %get3A_18 = vector.load %arg3[%get3A_15, %get3A_16, %get3A_17] : memref<1x32x1024xf32, #tpu.memory_space<vmem>>, vector<1x32x1024xf32>
    %get3A_19 = vector.shape_cast %get3A_18 : vector<1x32x1024xf32> to vector<32x1024xf32>
    %broadcast_in_dim3A = arith.constant 0.000000e+00 : f32
    %broadcast_in_dim3A_20 = vector.broadcast %broadcast_in_dim3A : f32 to vector<64x1024xf32>
    %slice3A = vector.extract_strided_slice %get3A_9 {offsets = [0, 0], sizes = [1, 1024], strides = [1, 1]} : vector<32x1024xf32> to vector<1x1024xf32>
    %slice3A_21 = vector.extract_strided_slice %get3A_14 {offsets = [0, 0], sizes = [1, 1024], strides = [1, 1]} : vector<32x1024xf32> to vector<1x1024xf32>
    %slice3A_22 = vector.extract_strided_slice %get3A_19 {offsets = [0, 0], sizes = [1, 1024], strides = [1, 1]} : vector<32x1024xf32> to vector<1x1024xf32>
    %concatenate3A = tpu.concatenate %slice3A, %slice3A_21, %slice3A_22 in 0 : vector<1x1024xf32>, vector<1x1024xf32>, vector<1x1024xf32> -> vector<3x1024xf32>
    %dot_general3A = arith.constant dense<0.000000e+00> : vector<32x1024xf32>
    %dot_general3A_23 = tpu.matmul %get3A_1, %concatenate3A, %dot_general3A {dimension_numbers = #tpu.dot_dimension_numbers<[1], [0], [0], [1], [0, 0, 1, 1], [], []>, precision = #tpu.contract_precision<fp32>, transpose_lhs_hint = false} : vector<32x3xf32>, vector<3x1024xf32>, vector<32x1024xf32> -> vector<32x1024xf32>
    %max3A = arith.constant 0.000000e+00 : f32
    %max3A_24 = vector.broadcast %max3A : f32 to vector<32x1024xf32>
    %max3A_25 = arith.maximumf %dot_general3A_23, %max3A_24 : vector<32x1024xf32>
    %dot_general3A_26 = arith.constant dense<0.000000e+00> : vector<64x1024xf32>
    %dot_general3A_27 = tpu.matmul %get3A_4, %max3A_25, %dot_general3A_26 {dimension_numbers = #tpu.dot_dimension_numbers<[1], [0], [0], [1], [0, 0, 1, 1], [], []>, precision = #tpu.contract_precision<fp32>, transpose_lhs_hint = false} : vector<64x32xf32>, vector<32x1024xf32>, vector<64x1024xf32> -> vector<64x1024xf32>
    %max3A_28 = arith.constant 0.000000e+00 : f32
    %max3A_29 = vector.broadcast %max3A_28 : f32 to vector<64x1024xf32>
    %max3A_30 = arith.maximumf %dot_general3A_27, %max3A_29 : vector<64x1024xf32>
    %max3A_31 = arith.maximumf %broadcast_in_dim3A_20, %max3A_30 : vector<64x1024xf32>
    %slice3A_32 = vector.extract_strided_slice %get3A_9 {offsets = [1, 0], sizes = [1, 1024], strides = [1, 1]} : vector<32x1024xf32> to vector<1x1024xf32>
    %slice3A_33 = vector.extract_strided_slice %get3A_14 {offsets = [1, 0], sizes = [1, 1024], strides = [1, 1]} : vector<32x1024xf32> to vector<1x1024xf32>
    %slice3A_34 = vector.extract_strided_slice %get3A_19 {offsets = [1, 0], sizes = [1, 1024], strides = [1, 1]} : vector<32x1024xf32> to vector<1x1024xf32>
    %concatenate3A_35 = tpu.concatenate %slice3A_32, %slice3A_33, %slice3A_34 in 0 : vector<1x1024xf32>, vector<1x1024xf32>, vector<1x1024xf32> -> vector<3x1024xf32>
    %dot_general3A_36 = arith.constant dense<0.000000e+00> : vector<32x1024xf32>
    %dot_general3A_37 = tpu.matmul %get3A_1, %concatenate3A_35, %dot_general3A_36 {dimension_numbers = #tpu.dot_dimension_numbers<[1], [0], [0], [1], [0, 0, 1, 1], [], []>, precision = #tpu.contract_precision<fp32>, transpose_lhs_hint = false} : vector<32x3xf32>, vector<3x1024xf32>, vector<32x1024xf32> -> vector<32x1024xf32>
    %max3A_38 = arith.constant 0.000000e+00 : f32
    %max3A_39 = vector.broadcast %max3A_38 : f32 to vector<32x1024xf32>
    %max3A_40 = arith.maximumf %dot_general3A_37, %max3A_39 : vector<32x1024xf32>
    %dot_general3A_41 = arith.constant dense<0.000000e+00> : vector<64x1024xf32>
    %dot_general3A_42 = tpu.matmul %get3A_4, %max3A_40, %dot_general3A_41 {dimension_numbers = #tpu.dot_dimension_numbers<[1], [0], [0], [1], [0, 0, 1, 1], [], []>, precision = #tpu.contract_precision<fp32>, transpose_lhs_hint = false} : vector<64x32xf32>, vector<32x1024xf32>, vector<64x1024xf32> -> vector<64x1024xf32>
    %max3A_43 = arith.constant 0.000000e+00 : f32
    %max3A_44 = vector.broadcast %max3A_43 : f32 to vector<64x1024xf32>
    %max3A_45 = arith.maximumf %dot_general3A_42, %max3A_44 : vector<64x1024xf32>
    %max3A_46 = arith.maximumf %max3A_31, %max3A_45 : vector<64x1024xf32>
    %slice3A_47 = vector.extract_strided_slice %get3A_9 {offsets = [2, 0], sizes = [1, 1024], strides = [1, 1]} : vector<32x1024xf32> to vector<1x1024xf32>
    %slice3A_48 = vector.extract_strided_slice %get3A_14 {offsets = [2, 0], sizes = [1, 1024], strides = [1, 1]} : vector<32x1024xf32> to vector<1x1024xf32>
    %slice3A_49 = vector.extract_strided_slice %get3A_19 {offsets = [2, 0], sizes = [1, 1024], strides = [1, 1]} : vector<32x1024xf32> to vector<1x1024xf32>
    %concatenate3A_50 = tpu.concatenate %slice3A_47, %slice3A_48, %slice3A_49 in 0 : vector<1x1024xf32>, vector<1x1024xf32>, vector<1x1024xf32> -> vector<3x1024xf32>
    %dot_general3A_51 = arith.constant dense<0.000000e+00> : vector<32x1024xf32>
    %dot_general3A_52 = tpu.matmul %get3A_1, %concatenate3A_50, %dot_general3A_51 {dimension_numbers = #tpu.dot_dimension_numbers<[1], [0], [0], [1], [0, 0, 1, 1], [], []>, precision = #tpu.contract_precision<fp32>, transpose_lhs_hint = false} : vector<32x3xf32>, vector<3x1024xf32>, vector<32x1024xf32> -> vector<32x1024xf32>
    %max3A_53 = arith.constant 0.000000e+00 : f32
    %max3A_54 = vector.broadcast %max3A_53 : f32 to vector<32x1024xf32>
    %max3A_55 = arith.maximumf %dot_general3A_52, %max3A_54 : vector<32x1024xf32>
    %dot_general3A_56 = arith.constant dense<0.000000e+00> : vector<64x1024xf32>
    %dot_general3A_57 = tpu.matmul %get3A_4, %max3A_55, %dot_general3A_56 {dimension_numbers = #tpu.dot_dimension_numbers<[1], [0], [0], [1], [0, 0, 1, 1], [], []>, precision = #tpu.contract_precision<fp32>, transpose_lhs_hint = false} : vector<64x32xf32>, vector<32x1024xf32>, vector<64x1024xf32> -> vector<64x1024xf32>
    %max3A_58 = arith.constant 0.000000e+00 : f32
    %max3A_59 = vector.broadcast %max3A_58 : f32 to vector<64x1024xf32>
    %max3A_60 = arith.maximumf %dot_general3A_57, %max3A_59 : vector<64x1024xf32>
    %max3A_61 = arith.maximumf %max3A_46, %max3A_60 : vector<64x1024xf32>
    %slice3A_62 = vector.extract_strided_slice %get3A_9 {offsets = [3, 0], sizes = [1, 1024], strides = [1, 1]} : vector<32x1024xf32> to vector<1x1024xf32>
    %slice3A_63 = vector.extract_strided_slice %get3A_14 {offsets = [3, 0], sizes = [1, 1024], strides = [1, 1]} : vector<32x1024xf32> to vector<1x1024xf32>
    %slice3A_64 = vector.extract_strided_slice %get3A_19 {offsets = [3, 0], sizes = [1, 1024], strides = [1, 1]} : vector<32x1024xf32> to vector<1x1024xf32>
    %concatenate3A_65 = tpu.concatenate %slice3A_62, %slice3A_63, %slice3A_64 in 0 : vector<1x1024xf32>, vector<1x1024xf32>, vector<1x1024xf32> -> vector<3x1024xf32>
    %dot_general3A_66 = arith.constant dense<0.000000e+00> : vector<32x1024xf32>
    %dot_general3A_67 = tpu.matmul %get3A_1, %concatenate3A_65, %dot_general3A_66 {dimension_numbers = #tpu.dot_dimension_numbers<[1], [0], [0], [1], [0, 0, 1, 1], [], []>, precision = #tpu.contract_precision<fp32>, transpose_lhs_hint = false} : vector<32x3xf32>, vector<3x1024xf32>, vector<32x1024xf32> -> vector<32x1024xf32>
    %max3A_68 = arith.constant 0.000000e+00 : f32
    %max3A_69 = vector.broadcast %max3A_68 : f32 to vector<32x1024xf32>
    %max3A_70 = arith.maximumf %dot_general3A_67, %max3A_69 : vector<32x1024xf32>
    %dot_general3A_71 = arith.constant dense<0.000000e+00> : vector<64x1024xf32>
    %dot_general3A_72 = tpu.matmul %get3A_4, %max3A_70, %dot_general3A_71 {dimension_numbers = #tpu.dot_dimension_numbers<[1], [0], [0], [1], [0, 0, 1, 1], [], []>, precision = #tpu.contract_precision<fp32>, transpose_lhs_hint = false} : vector<64x32xf32>, vector<32x1024xf32>, vector<64x1024xf32> -> vector<64x1024xf32>
    %max3A_73 = arith.constant 0.000000e+00 : f32
    %max3A_74 = vector.broadcast %max3A_73 : f32 to vector<64x1024xf32>
    %max3A_75 = arith.maximumf %dot_general3A_72, %max3A_74 : vector<64x1024xf32>
    %max3A_76 = arith.maximumf %max3A_61, %max3A_75 : vector<64x1024xf32>
    %slice3A_77 = vector.extract_strided_slice %get3A_9 {offsets = [4, 0], sizes = [1, 1024], strides = [1, 1]} : vector<32x1024xf32> to vector<1x1024xf32>
    %slice3A_78 = vector.extract_strided_slice %get3A_14 {offsets = [4, 0], sizes = [1, 1024], strides = [1, 1]} : vector<32x1024xf32> to vector<1x1024xf32>
    %slice3A_79 = vector.extract_strided_slice %get3A_19 {offsets = [4, 0], sizes = [1, 1024], strides = [1, 1]} : vector<32x1024xf32> to vector<1x1024xf32>
    %concatenate3A_80 = tpu.concatenate %slice3A_77, %slice3A_78, %slice3A_79 in 0 : vector<1x1024xf32>, vector<1x1024xf32>, vector<1x1024xf32> -> vector<3x1024xf32>
    %dot_general3A_81 = arith.constant dense<0.000000e+00> : vector<32x1024xf32>
    %dot_general3A_82 = tpu.matmul %get3A_1, %concatenate3A_80, %dot_general3A_81 {dimension_numbers = #tpu.dot_dimension_numbers<[1], [0], [0], [1], [0, 0, 1, 1], [], []>, precision = #tpu.contract_precision<fp32>, transpose_lhs_hint = false} : vector<32x3xf32>, vector<3x1024xf32>, vector<32x1024xf32> -> vector<32x1024xf32>
    %max3A_83 = arith.constant 0.000000e+00 : f32
    %max3A_84 = vector.broadcast %max3A_83 : f32 to vector<32x1024xf32>
    %max3A_85 = arith.maximumf %dot_general3A_82, %max3A_84 : vector<32x1024xf32>
    %dot_general3A_86 = arith.constant dense<0.000000e+00> : vector<64x1024xf32>
    %dot_general3A_87 = tpu.matmul %get3A_4, %max3A_85, %dot_general3A_86 {dimension_numbers = #tpu.dot_dimension_numbers<[1], [0], [0], [1], [0, 0, 1, 1], [], []>, precision = #tpu.contract_precision<fp32>, transpose_lhs_hint = false} : vector<64x32xf32>, vector<32x1024xf32>, vector<64x1024xf32> -> vector<64x1024xf32>
    %max3A_88 = arith.constant 0.000000e+00 : f32
    %max3A_89 = vector.broadcast %max3A_88 : f32 to vector<64x1024xf32>
    %max3A_90 = arith.maximumf %dot_general3A_87, %max3A_89 : vector<64x1024xf32>
    %max3A_91 = arith.maximumf %max3A_76, %max3A_90 : vector<64x1024xf32>
    %slice3A_92 = vector.extract_strided_slice %get3A_9 {offsets = [5, 0], sizes = [1, 1024], strides = [1, 1]} : vector<32x1024xf32> to vector<1x1024xf32>
    %slice3A_93 = vector.extract_strided_slice %get3A_14 {offsets = [5, 0], sizes = [1, 1024], strides = [1, 1]} : vector<32x1024xf32> to vector<1x1024xf32>
    %slice3A_94 = vector.extract_strided_slice %get3A_19 {offsets = [5, 0], sizes = [1, 1024], strides = [1, 1]} : vector<32x1024xf32> to vector<1x1024xf32>
    %concatenate3A_95 = tpu.concatenate %slice3A_92, %slice3A_93, %slice3A_94 in 0 : vector<1x1024xf32>, vector<1x1024xf32>, vector<1x1024xf32> -> vector<3x1024xf32>
    %dot_general3A_96 = arith.constant dense<0.000000e+00> : vector<32x1024xf32>
    %dot_general3A_97 = tpu.matmul %get3A_1, %concatenate3A_95, %dot_general3A_96 {dimension_numbers = #tpu.dot_dimension_numbers<[1], [0], [0], [1], [0, 0, 1, 1], [], []>, precision = #tpu.contract_precision<fp32>, transpose_lhs_hint = false} : vector<32x3xf32>, vector<3x1024xf32>, vector<32x1024xf32> -> vector<32x1024xf32>
    %max3A_98 = arith.constant 0.000000e+00 : f32
    %max3A_99 = vector.broadcast %max3A_98 : f32 to vector<32x1024xf32>
    %max3A_100 = arith.maximumf %dot_general3A_97, %max3A_99 : vector<32x1024xf32>
    %dot_general3A_101 = arith.constant dense<0.000000e+00> : vector<64x1024xf32>
    %dot_general3A_102 = tpu.matmul %get3A_4, %max3A_100, %dot_general3A_101 {dimension_numbers = #tpu.dot_dimension_numbers<[1], [0], [0], [1], [0, 0, 1, 1], [], []>, precision = #tpu.contract_precision<fp32>, transpose_lhs_hint = false} : vector<64x32xf32>, vector<32x1024xf32>, vector<64x1024xf32> -> vector<64x1024xf32>
    %max3A_103 = arith.constant 0.000000e+00 : f32
    %max3A_104 = vector.broadcast %max3A_103 : f32 to vector<64x1024xf32>
    %max3A_105 = arith.maximumf %dot_general3A_102, %max3A_104 : vector<64x1024xf32>
    %max3A_106 = arith.maximumf %max3A_91, %max3A_105 : vector<64x1024xf32>
    %slice3A_107 = vector.extract_strided_slice %get3A_9 {offsets = [6, 0], sizes = [1, 1024], strides = [1, 1]} : vector<32x1024xf32> to vector<1x1024xf32>
    %slice3A_108 = vector.extract_strided_slice %get3A_14 {offsets = [6, 0], sizes = [1, 1024], strides = [1, 1]} : vector<32x1024xf32> to vector<1x1024xf32>
    %slice3A_109 = vector.extract_strided_slice %get3A_19 {offsets = [6, 0], sizes = [1, 1024], strides = [1, 1]} : vector<32x1024xf32> to vector<1x1024xf32>
    %concatenate3A_110 = tpu.concatenate %slice3A_107, %slice3A_108, %slice3A_109 in 0 : vector<1x1024xf32>, vector<1x1024xf32>, vector<1x1024xf32> -> vector<3x1024xf32>
    %dot_general3A_111 = arith.constant dense<0.000000e+00> : vector<32x1024xf32>
    %dot_general3A_112 = tpu.matmul %get3A_1, %concatenate3A_110, %dot_general3A_111 {dimension_numbers = #tpu.dot_dimension_numbers<[1], [0], [0], [1], [0, 0, 1, 1], [], []>, precision = #tpu.contract_precision<fp32>, transpose_lhs_hint = false} : vector<32x3xf32>, vector<3x1024xf32>, vector<32x1024xf32> -> vector<32x1024xf32>
    %max3A_113 = arith.constant 0.000000e+00 : f32
    %max3A_114 = vector.broadcast %max3A_113 : f32 to vector<32x1024xf32>
    %max3A_115 = arith.maximumf %dot_general3A_112, %max3A_114 : vector<32x1024xf32>
    %dot_general3A_116 = arith.constant dense<0.000000e+00> : vector<64x1024xf32>
    %dot_general3A_117 = tpu.matmul %get3A_4, %max3A_115, %dot_general3A_116 {dimension_numbers = #tpu.dot_dimension_numbers<[1], [0], [0], [1], [0, 0, 1, 1], [], []>, precision = #tpu.contract_precision<fp32>, transpose_lhs_hint = false} : vector<64x32xf32>, vector<32x1024xf32>, vector<64x1024xf32> -> vector<64x1024xf32>
    %max3A_118 = arith.constant 0.000000e+00 : f32
    %max3A_119 = vector.broadcast %max3A_118 : f32 to vector<64x1024xf32>
    %max3A_120 = arith.maximumf %dot_general3A_117, %max3A_119 : vector<64x1024xf32>
    %max3A_121 = arith.maximumf %max3A_106, %max3A_120 : vector<64x1024xf32>
    %slice3A_122 = vector.extract_strided_slice %get3A_9 {offsets = [7, 0], sizes = [1, 1024], strides = [1, 1]} : vector<32x1024xf32> to vector<1x1024xf32>
    %slice3A_123 = vector.extract_strided_slice %get3A_14 {offsets = [7, 0], sizes = [1, 1024], strides = [1, 1]} : vector<32x1024xf32> to vector<1x1024xf32>
    %slice3A_124 = vector.extract_strided_slice %get3A_19 {offsets = [7, 0], sizes = [1, 1024], strides = [1, 1]} : vector<32x1024xf32> to vector<1x1024xf32>
    %concatenate3A_125 = tpu.concatenate %slice3A_122, %slice3A_123, %slice3A_124 in 0 : vector<1x1024xf32>, vector<1x1024xf32>, vector<1x1024xf32> -> vector<3x1024xf32>
    %dot_general3A_126 = arith.constant dense<0.000000e+00> : vector<32x1024xf32>
    %dot_general3A_127 = tpu.matmul %get3A_1, %concatenate3A_125, %dot_general3A_126 {dimension_numbers = #tpu.dot_dimension_numbers<[1], [0], [0], [1], [0, 0, 1, 1], [], []>, precision = #tpu.contract_precision<fp32>, transpose_lhs_hint = false} : vector<32x3xf32>, vector<3x1024xf32>, vector<32x1024xf32> -> vector<32x1024xf32>
    %max3A_128 = arith.constant 0.000000e+00 : f32
    %max3A_129 = vector.broadcast %max3A_128 : f32 to vector<32x1024xf32>
    %max3A_130 = arith.maximumf %dot_general3A_127, %max3A_129 : vector<32x1024xf32>
    %dot_general3A_131 = arith.constant dense<0.000000e+00> : vector<64x1024xf32>
    %dot_general3A_132 = tpu.matmul %get3A_4, %max3A_130, %dot_general3A_131 {dimension_numbers = #tpu.dot_dimension_numbers<[1], [0], [0], [1], [0, 0, 1, 1], [], []>, precision = #tpu.contract_precision<fp32>, transpose_lhs_hint = false} : vector<64x32xf32>, vector<32x1024xf32>, vector<64x1024xf32> -> vector<64x1024xf32>
    %max3A_133 = arith.constant 0.000000e+00 : f32
    %max3A_134 = vector.broadcast %max3A_133 : f32 to vector<64x1024xf32>
    %max3A_135 = arith.maximumf %dot_general3A_132, %max3A_134 : vector<64x1024xf32>
    %max3A_136 = arith.maximumf %max3A_121, %max3A_135 : vector<64x1024xf32>
    %slice3A_137 = vector.extract_strided_slice %get3A_9 {offsets = [8, 0], sizes = [1, 1024], strides = [1, 1]} : vector<32x1024xf32> to vector<1x1024xf32>
    %slice3A_138 = vector.extract_strided_slice %get3A_14 {offsets = [8, 0], sizes = [1, 1024], strides = [1, 1]} : vector<32x1024xf32> to vector<1x1024xf32>
    %slice3A_139 = vector.extract_strided_slice %get3A_19 {offsets = [8, 0], sizes = [1, 1024], strides = [1, 1]} : vector<32x1024xf32> to vector<1x1024xf32>
    %concatenate3A_140 = tpu.concatenate %slice3A_137, %slice3A_138, %slice3A_139 in 0 : vector<1x1024xf32>, vector<1x1024xf32>, vector<1x1024xf32> -> vector<3x1024xf32>
    %dot_general3A_141 = arith.constant dense<0.000000e+00> : vector<32x1024xf32>
    %dot_general3A_142 = tpu.matmul %get3A_1, %concatenate3A_140, %dot_general3A_141 {dimension_numbers = #tpu.dot_dimension_numbers<[1], [0], [0], [1], [0, 0, 1, 1], [], []>, precision = #tpu.contract_precision<fp32>, transpose_lhs_hint = false} : vector<32x3xf32>, vector<3x1024xf32>, vector<32x1024xf32> -> vector<32x1024xf32>
    %max3A_143 = arith.constant 0.000000e+00 : f32
    %max3A_144 = vector.broadcast %max3A_143 : f32 to vector<32x1024xf32>
    %max3A_145 = arith.maximumf %dot_general3A_142, %max3A_144 : vector<32x1024xf32>
    %dot_general3A_146 = arith.constant dense<0.000000e+00> : vector<64x1024xf32>
    %dot_general3A_147 = tpu.matmul %get3A_4, %max3A_145, %dot_general3A_146 {dimension_numbers = #tpu.dot_dimension_numbers<[1], [0], [0], [1], [0, 0, 1, 1], [], []>, precision = #tpu.contract_precision<fp32>, transpose_lhs_hint = false} : vector<64x32xf32>, vector<32x1024xf32>, vector<64x1024xf32> -> vector<64x1024xf32>
    %max3A_148 = arith.constant 0.000000e+00 : f32
    %max3A_149 = vector.broadcast %max3A_148 : f32 to vector<64x1024xf32>
    %max3A_150 = arith.maximumf %dot_general3A_147, %max3A_149 : vector<64x1024xf32>
    %max3A_151 = arith.maximumf %max3A_136, %max3A_150 : vector<64x1024xf32>
    %slice3A_152 = vector.extract_strided_slice %get3A_9 {offsets = [9, 0], sizes = [1, 1024], strides = [1, 1]} : vector<32x1024xf32> to vector<1x1024xf32>
    %slice3A_153 = vector.extract_strided_slice %get3A_14 {offsets = [9, 0], sizes = [1, 1024], strides = [1, 1]} : vector<32x1024xf32> to vector<1x1024xf32>
    %slice3A_154 = vector.extract_strided_slice %get3A_19 {offsets = [9, 0], sizes = [1, 1024], strides = [1, 1]} : vector<32x1024xf32> to vector<1x1024xf32>
    %concatenate3A_155 = tpu.concatenate %slice3A_152, %slice3A_153, %slice3A_154 in 0 : vector<1x1024xf32>, vector<1x1024xf32>, vector<1x1024xf32> -> vector<3x1024xf32>
    %dot_general3A_156 = arith.constant dense<0.000000e+00> : vector<32x1024xf32>
    %dot_general3A_157 = tpu.matmul %get3A_1, %concatenate3A_155, %dot_general3A_156 {dimension_numbers = #tpu.dot_dimension_numbers<[1], [0], [0], [1], [0, 0, 1, 1], [], []>, precision = #tpu.contract_precision<fp32>, transpose_lhs_hint = false} : vector<32x3xf32>, vector<3x1024xf32>, vector<32x1024xf32> -> vector<32x1024xf32>
    %max3A_158 = arith.constant 0.000000e+00 : f32
    %max3A_159 = vector.broadcast %max3A_158 : f32 to vector<32x1024xf32>
    %max3A_160 = arith.maximumf %dot_general3A_157, %max3A_159 : vector<32x1024xf32>
    %dot_general3A_161 = arith.constant dense<0.000000e+00> : vector<64x1024xf32>
    %dot_general3A_162 = tpu.matmul %get3A_4, %max3A_160, %dot_general3A_161 {dimension_numbers = #tpu.dot_dimension_numbers<[1], [0], [0], [1], [0, 0, 1, 1], [], []>, precision = #tpu.contract_precision<fp32>, transpose_lhs_hint = false} : vector<64x32xf32>, vector<32x1024xf32>, vector<64x1024xf32> -> vector<64x1024xf32>
    %max3A_163 = arith.constant 0.000000e+00 : f32
    %max3A_164 = vector.broadcast %max3A_163 : f32 to vector<64x1024xf32>
    %max3A_165 = arith.maximumf %dot_general3A_162, %max3A_164 : vector<64x1024xf32>
    %max3A_166 = arith.maximumf %max3A_151, %max3A_165 : vector<64x1024xf32>
    %slice3A_167 = vector.extract_strided_slice %get3A_9 {offsets = [10, 0], sizes = [1, 1024], strides = [1, 1]} : vector<32x1024xf32> to vector<1x1024xf32>
    %slice3A_168 = vector.extract_strided_slice %get3A_14 {offsets = [10, 0], sizes = [1, 1024], strides = [1, 1]} : vector<32x1024xf32> to vector<1x1024xf32>
    %slice3A_169 = vector.extract_strided_slice %get3A_19 {offsets = [10, 0], sizes = [1, 1024], strides = [1, 1]} : vector<32x1024xf32> to vector<1x1024xf32>
    %concatenate3A_170 = tpu.concatenate %slice3A_167, %slice3A_168, %slice3A_169 in 0 : vector<1x1024xf32>, vector<1x1024xf32>, vector<1x1024xf32> -> vector<3x1024xf32>
    %dot_general3A_171 = arith.constant dense<0.000000e+00> : vector<32x1024xf32>
    %dot_general3A_172 = tpu.matmul %get3A_1, %concatenate3A_170, %dot_general3A_171 {dimension_numbers = #tpu.dot_dimension_numbers<[1], [0], [0], [1], [0, 0, 1, 1], [], []>, precision = #tpu.contract_precision<fp32>, transpose_lhs_hint = false} : vector<32x3xf32>, vector<3x1024xf32>, vector<32x1024xf32> -> vector<32x1024xf32>
    %max3A_173 = arith.constant 0.000000e+00 : f32
    %max3A_174 = vector.broadcast %max3A_173 : f32 to vector<32x1024xf32>
    %max3A_175 = arith.maximumf %dot_general3A_172, %max3A_174 : vector<32x1024xf32>
    %dot_general3A_176 = arith.constant dense<0.000000e+00> : vector<64x1024xf32>
    %dot_general3A_177 = tpu.matmul %get3A_4, %max3A_175, %dot_general3A_176 {dimension_numbers = #tpu.dot_dimension_numbers<[1], [0], [0], [1], [0, 0, 1, 1], [], []>, precision = #tpu.contract_precision<fp32>, transpose_lhs_hint = false} : vector<64x32xf32>, vector<32x1024xf32>, vector<64x1024xf32> -> vector<64x1024xf32>
    %max3A_178 = arith.constant 0.000000e+00 : f32
    %max3A_179 = vector.broadcast %max3A_178 : f32 to vector<64x1024xf32>
    %max3A_180 = arith.maximumf %dot_general3A_177, %max3A_179 : vector<64x1024xf32>
    %max3A_181 = arith.maximumf %max3A_166, %max3A_180 : vector<64x1024xf32>
    %slice3A_182 = vector.extract_strided_slice %get3A_9 {offsets = [11, 0], sizes = [1, 1024], strides = [1, 1]} : vector<32x1024xf32> to vector<1x1024xf32>
    %slice3A_183 = vector.extract_strided_slice %get3A_14 {offsets = [11, 0], sizes = [1, 1024], strides = [1, 1]} : vector<32x1024xf32> to vector<1x1024xf32>
    %slice3A_184 = vector.extract_strided_slice %get3A_19 {offsets = [11, 0], sizes = [1, 1024], strides = [1, 1]} : vector<32x1024xf32> to vector<1x1024xf32>
    %concatenate3A_185 = tpu.concatenate %slice3A_182, %slice3A_183, %slice3A_184 in 0 : vector<1x1024xf32>, vector<1x1024xf32>, vector<1x1024xf32> -> vector<3x1024xf32>
    %dot_general3A_186 = arith.constant dense<0.000000e+00> : vector<32x1024xf32>
    %dot_general3A_187 = tpu.matmul %get3A_1, %concatenate3A_185, %dot_general3A_186 {dimension_numbers = #tpu.dot_dimension_numbers<[1], [0], [0], [1], [0, 0, 1, 1], [], []>, precision = #tpu.contract_precision<fp32>, transpose_lhs_hint = false} : vector<32x3xf32>, vector<3x1024xf32>, vector<32x1024xf32> -> vector<32x1024xf32>
    %max3A_188 = arith.constant 0.000000e+00 : f32
    %max3A_189 = vector.broadcast %max3A_188 : f32 to vector<32x1024xf32>
    %max3A_190 = arith.maximumf %dot_general3A_187, %max3A_189 : vector<32x1024xf32>
    %dot_general3A_191 = arith.constant dense<0.000000e+00> : vector<64x1024xf32>
    %dot_general3A_192 = tpu.matmul %get3A_4, %max3A_190, %dot_general3A_191 {dimension_numbers = #tpu.dot_dimension_numbers<[1], [0], [0], [1], [0, 0, 1, 1], [], []>, precision = #tpu.contract_precision<fp32>, transpose_lhs_hint = false} : vector<64x32xf32>, vector<32x1024xf32>, vector<64x1024xf32> -> vector<64x1024xf32>
    %max3A_193 = arith.constant 0.000000e+00 : f32
    %max3A_194 = vector.broadcast %max3A_193 : f32 to vector<64x1024xf32>
    %max3A_195 = arith.maximumf %dot_general3A_192, %max3A_194 : vector<64x1024xf32>
    %max3A_196 = arith.maximumf %max3A_181, %max3A_195 : vector<64x1024xf32>
    %slice3A_197 = vector.extract_strided_slice %get3A_9 {offsets = [12, 0], sizes = [1, 1024], strides = [1, 1]} : vector<32x1024xf32> to vector<1x1024xf32>
    %slice3A_198 = vector.extract_strided_slice %get3A_14 {offsets = [12, 0], sizes = [1, 1024], strides = [1, 1]} : vector<32x1024xf32> to vector<1x1024xf32>
    %slice3A_199 = vector.extract_strided_slice %get3A_19 {offsets = [12, 0], sizes = [1, 1024], strides = [1, 1]} : vector<32x1024xf32> to vector<1x1024xf32>
    %concatenate3A_200 = tpu.concatenate %slice3A_197, %slice3A_198, %slice3A_199 in 0 : vector<1x1024xf32>, vector<1x1024xf32>, vector<1x1024xf32> -> vector<3x1024xf32>
    %dot_general3A_201 = arith.constant dense<0.000000e+00> : vector<32x1024xf32>
    %dot_general3A_202 = tpu.matmul %get3A_1, %concatenate3A_200, %dot_general3A_201 {dimension_numbers = #tpu.dot_dimension_numbers<[1], [0], [0], [1], [0, 0, 1, 1], [], []>, precision = #tpu.contract_precision<fp32>, transpose_lhs_hint = false} : vector<32x3xf32>, vector<3x1024xf32>, vector<32x1024xf32> -> vector<32x1024xf32>
    %max3A_203 = arith.constant 0.000000e+00 : f32
    %max3A_204 = vector.broadcast %max3A_203 : f32 to vector<32x1024xf32>
    %max3A_205 = arith.maximumf %dot_general3A_202, %max3A_204 : vector<32x1024xf32>
    %dot_general3A_206 = arith.constant dense<0.000000e+00> : vector<64x1024xf32>
    %dot_general3A_207 = tpu.matmul %get3A_4, %max3A_205, %dot_general3A_206 {dimension_numbers = #tpu.dot_dimension_numbers<[1], [0], [0], [1], [0, 0, 1, 1], [], []>, precision = #tpu.contract_precision<fp32>, transpose_lhs_hint = false} : vector<64x32xf32>, vector<32x1024xf32>, vector<64x1024xf32> -> vector<64x1024xf32>
    %max3A_208 = arith.constant 0.000000e+00 : f32
    %max3A_209 = vector.broadcast %max3A_208 : f32 to vector<64x1024xf32>
    %max3A_210 = arith.maximumf %dot_general3A_207, %max3A_209 : vector<64x1024xf32>
    %max3A_211 = arith.maximumf %max3A_196, %max3A_210 : vector<64x1024xf32>
    %slice3A_212 = vector.extract_strided_slice %get3A_9 {offsets = [13, 0], sizes = [1, 1024], strides = [1, 1]} : vector<32x1024xf32> to vector<1x1024xf32>
    %slice3A_213 = vector.extract_strided_slice %get3A_14 {offsets = [13, 0], sizes = [1, 1024], strides = [1, 1]} : vector<32x1024xf32> to vector<1x1024xf32>
    %slice3A_214 = vector.extract_strided_slice %get3A_19 {offsets = [13, 0], sizes = [1, 1024], strides = [1, 1]} : vector<32x1024xf32> to vector<1x1024xf32>
    %concatenate3A_215 = tpu.concatenate %slice3A_212, %slice3A_213, %slice3A_214 in 0 : vector<1x1024xf32>, vector<1x1024xf32>, vector<1x1024xf32> -> vector<3x1024xf32>
    %dot_general3A_216 = arith.constant dense<0.000000e+00> : vector<32x1024xf32>
    %dot_general3A_217 = tpu.matmul %get3A_1, %concatenate3A_215, %dot_general3A_216 {dimension_numbers = #tpu.dot_dimension_numbers<[1], [0], [0], [1], [0, 0, 1, 1], [], []>, precision = #tpu.contract_precision<fp32>, transpose_lhs_hint = false} : vector<32x3xf32>, vector<3x1024xf32>, vector<32x1024xf32> -> vector<32x1024xf32>
    %max3A_218 = arith.constant 0.000000e+00 : f32
    %max3A_219 = vector.broadcast %max3A_218 : f32 to vector<32x1024xf32>
    %max3A_220 = arith.maximumf %dot_general3A_217, %max3A_219 : vector<32x1024xf32>
    %dot_general3A_221 = arith.constant dense<0.000000e+00> : vector<64x1024xf32>
    %dot_general3A_222 = tpu.matmul %get3A_4, %max3A_220, %dot_general3A_221 {dimension_numbers = #tpu.dot_dimension_numbers<[1], [0], [0], [1], [0, 0, 1, 1], [], []>, precision = #tpu.contract_precision<fp32>, transpose_lhs_hint = false} : vector<64x32xf32>, vector<32x1024xf32>, vector<64x1024xf32> -> vector<64x1024xf32>
    %max3A_223 = arith.constant 0.000000e+00 : f32
    %max3A_224 = vector.broadcast %max3A_223 : f32 to vector<64x1024xf32>
    %max3A_225 = arith.maximumf %dot_general3A_222, %max3A_224 : vector<64x1024xf32>
    %max3A_226 = arith.maximumf %max3A_211, %max3A_225 : vector<64x1024xf32>
    %slice3A_227 = vector.extract_strided_slice %get3A_9 {offsets = [14, 0], sizes = [1, 1024], strides = [1, 1]} : vector<32x1024xf32> to vector<1x1024xf32>
    %slice3A_228 = vector.extract_strided_slice %get3A_14 {offsets = [14, 0], sizes = [1, 1024], strides = [1, 1]} : vector<32x1024xf32> to vector<1x1024xf32>
    %slice3A_229 = vector.extract_strided_slice %get3A_19 {offsets = [14, 0], sizes = [1, 1024], strides = [1, 1]} : vector<32x1024xf32> to vector<1x1024xf32>
    %concatenate3A_230 = tpu.concatenate %slice3A_227, %slice3A_228, %slice3A_229 in 0 : vector<1x1024xf32>, vector<1x1024xf32>, vector<1x1024xf32> -> vector<3x1024xf32>
    %dot_general3A_231 = arith.constant dense<0.000000e+00> : vector<32x1024xf32>
    %dot_general3A_232 = tpu.matmul %get3A_1, %concatenate3A_230, %dot_general3A_231 {dimension_numbers = #tpu.dot_dimension_numbers<[1], [0], [0], [1], [0, 0, 1, 1], [], []>, precision = #tpu.contract_precision<fp32>, transpose_lhs_hint = false} : vector<32x3xf32>, vector<3x1024xf32>, vector<32x1024xf32> -> vector<32x1024xf32>
    %max3A_233 = arith.constant 0.000000e+00 : f32
    %max3A_234 = vector.broadcast %max3A_233 : f32 to vector<32x1024xf32>
    %max3A_235 = arith.maximumf %dot_general3A_232, %max3A_234 : vector<32x1024xf32>
    %dot_general3A_236 = arith.constant dense<0.000000e+00> : vector<64x1024xf32>
    %dot_general3A_237 = tpu.matmul %get3A_4, %max3A_235, %dot_general3A_236 {dimension_numbers = #tpu.dot_dimension_numbers<[1], [0], [0], [1], [0, 0, 1, 1], [], []>, precision = #tpu.contract_precision<fp32>, transpose_lhs_hint = false} : vector<64x32xf32>, vector<32x1024xf32>, vector<64x1024xf32> -> vector<64x1024xf32>
    %max3A_238 = arith.constant 0.000000e+00 : f32
    %max3A_239 = vector.broadcast %max3A_238 : f32 to vector<64x1024xf32>
    %max3A_240 = arith.maximumf %dot_general3A_237, %max3A_239 : vector<64x1024xf32>
    %max3A_241 = arith.maximumf %max3A_226, %max3A_240 : vector<64x1024xf32>
    %slice3A_242 = vector.extract_strided_slice %get3A_9 {offsets = [15, 0], sizes = [1, 1024], strides = [1, 1]} : vector<32x1024xf32> to vector<1x1024xf32>
    %slice3A_243 = vector.extract_strided_slice %get3A_14 {offsets = [15, 0], sizes = [1, 1024], strides = [1, 1]} : vector<32x1024xf32> to vector<1x1024xf32>
    %slice3A_244 = vector.extract_strided_slice %get3A_19 {offsets = [15, 0], sizes = [1, 1024], strides = [1, 1]} : vector<32x1024xf32> to vector<1x1024xf32>
    %concatenate3A_245 = tpu.concatenate %slice3A_242, %slice3A_243, %slice3A_244 in 0 : vector<1x1024xf32>, vector<1x1024xf32>, vector<1x1024xf32> -> vector<3x1024xf32>
    %dot_general3A_246 = arith.constant dense<0.000000e+00> : vector<32x1024xf32>
    %dot_general3A_247 = tpu.matmul %get3A_1, %concatenate3A_245, %dot_general3A_246 {dimension_numbers = #tpu.dot_dimension_numbers<[1], [0], [0], [1], [0, 0, 1, 1], [], []>, precision = #tpu.contract_precision<fp32>, transpose_lhs_hint = false} : vector<32x3xf32>, vector<3x1024xf32>, vector<32x1024xf32> -> vector<32x1024xf32>
    %max3A_248 = arith.constant 0.000000e+00 : f32
    %max3A_249 = vector.broadcast %max3A_248 : f32 to vector<32x1024xf32>
    %max3A_250 = arith.maximumf %dot_general3A_247, %max3A_249 : vector<32x1024xf32>
    %dot_general3A_251 = arith.constant dense<0.000000e+00> : vector<64x1024xf32>
    %dot_general3A_252 = tpu.matmul %get3A_4, %max3A_250, %dot_general3A_251 {dimension_numbers = #tpu.dot_dimension_numbers<[1], [0], [0], [1], [0, 0, 1, 1], [], []>, precision = #tpu.contract_precision<fp32>, transpose_lhs_hint = false} : vector<64x32xf32>, vector<32x1024xf32>, vector<64x1024xf32> -> vector<64x1024xf32>
    %max3A_253 = arith.constant 0.000000e+00 : f32
    %max3A_254 = vector.broadcast %max3A_253 : f32 to vector<64x1024xf32>
    %max3A_255 = arith.maximumf %dot_general3A_252, %max3A_254 : vector<64x1024xf32>
    %max3A_256 = arith.maximumf %max3A_241, %max3A_255 : vector<64x1024xf32>
    %slice3A_257 = vector.extract_strided_slice %get3A_9 {offsets = [16, 0], sizes = [1, 1024], strides = [1, 1]} : vector<32x1024xf32> to vector<1x1024xf32>
    %slice3A_258 = vector.extract_strided_slice %get3A_14 {offsets = [16, 0], sizes = [1, 1024], strides = [1, 1]} : vector<32x1024xf32> to vector<1x1024xf32>
    %slice3A_259 = vector.extract_strided_slice %get3A_19 {offsets = [16, 0], sizes = [1, 1024], strides = [1, 1]} : vector<32x1024xf32> to vector<1x1024xf32>
    %concatenate3A_260 = tpu.concatenate %slice3A_257, %slice3A_258, %slice3A_259 in 0 : vector<1x1024xf32>, vector<1x1024xf32>, vector<1x1024xf32> -> vector<3x1024xf32>
    %dot_general3A_261 = arith.constant dense<0.000000e+00> : vector<32x1024xf32>
    %dot_general3A_262 = tpu.matmul %get3A_1, %concatenate3A_260, %dot_general3A_261 {dimension_numbers = #tpu.dot_dimension_numbers<[1], [0], [0], [1], [0, 0, 1, 1], [], []>, precision = #tpu.contract_precision<fp32>, transpose_lhs_hint = false} : vector<32x3xf32>, vector<3x1024xf32>, vector<32x1024xf32> -> vector<32x1024xf32>
    %max3A_263 = arith.constant 0.000000e+00 : f32
    %max3A_264 = vector.broadcast %max3A_263 : f32 to vector<32x1024xf32>
    %max3A_265 = arith.maximumf %dot_general3A_262, %max3A_264 : vector<32x1024xf32>
    %dot_general3A_266 = arith.constant dense<0.000000e+00> : vector<64x1024xf32>
    %dot_general3A_267 = tpu.matmul %get3A_4, %max3A_265, %dot_general3A_266 {dimension_numbers = #tpu.dot_dimension_numbers<[1], [0], [0], [1], [0, 0, 1, 1], [], []>, precision = #tpu.contract_precision<fp32>, transpose_lhs_hint = false} : vector<64x32xf32>, vector<32x1024xf32>, vector<64x1024xf32> -> vector<64x1024xf32>
    %max3A_268 = arith.constant 0.000000e+00 : f32
    %max3A_269 = vector.broadcast %max3A_268 : f32 to vector<64x1024xf32>
    %max3A_270 = arith.maximumf %dot_general3A_267, %max3A_269 : vector<64x1024xf32>
    %max3A_271 = arith.maximumf %max3A_256, %max3A_270 : vector<64x1024xf32>
    %slice3A_272 = vector.extract_strided_slice %get3A_9 {offsets = [17, 0], sizes = [1, 1024], strides = [1, 1]} : vector<32x1024xf32> to vector<1x1024xf32>
    %slice3A_273 = vector.extract_strided_slice %get3A_14 {offsets = [17, 0], sizes = [1, 1024], strides = [1, 1]} : vector<32x1024xf32> to vector<1x1024xf32>
    %slice3A_274 = vector.extract_strided_slice %get3A_19 {offsets = [17, 0], sizes = [1, 1024], strides = [1, 1]} : vector<32x1024xf32> to vector<1x1024xf32>
    %concatenate3A_275 = tpu.concatenate %slice3A_272, %slice3A_273, %slice3A_274 in 0 : vector<1x1024xf32>, vector<1x1024xf32>, vector<1x1024xf32> -> vector<3x1024xf32>
    %dot_general3A_276 = arith.constant dense<0.000000e+00> : vector<32x1024xf32>
    %dot_general3A_277 = tpu.matmul %get3A_1, %concatenate3A_275, %dot_general3A_276 {dimension_numbers = #tpu.dot_dimension_numbers<[1], [0], [0], [1], [0, 0, 1, 1], [], []>, precision = #tpu.contract_precision<fp32>, transpose_lhs_hint = false} : vector<32x3xf32>, vector<3x1024xf32>, vector<32x1024xf32> -> vector<32x1024xf32>
    %max3A_278 = arith.constant 0.000000e+00 : f32
    %max3A_279 = vector.broadcast %max3A_278 : f32 to vector<32x1024xf32>
    %max3A_280 = arith.maximumf %dot_general3A_277, %max3A_279 : vector<32x1024xf32>
    %dot_general3A_281 = arith.constant dense<0.000000e+00> : vector<64x1024xf32>
    %dot_general3A_282 = tpu.matmul %get3A_4, %max3A_280, %dot_general3A_281 {dimension_numbers = #tpu.dot_dimension_numbers<[1], [0], [0], [1], [0, 0, 1, 1], [], []>, precision = #tpu.contract_precision<fp32>, transpose_lhs_hint = false} : vector<64x32xf32>, vector<32x1024xf32>, vector<64x1024xf32> -> vector<64x1024xf32>
    %max3A_283 = arith.constant 0.000000e+00 : f32
    %max3A_284 = vector.broadcast %max3A_283 : f32 to vector<64x1024xf32>
    %max3A_285 = arith.maximumf %dot_general3A_282, %max3A_284 : vector<64x1024xf32>
    %max3A_286 = arith.maximumf %max3A_271, %max3A_285 : vector<64x1024xf32>
    %slice3A_287 = vector.extract_strided_slice %get3A_9 {offsets = [18, 0], sizes = [1, 1024], strides = [1, 1]} : vector<32x1024xf32> to vector<1x1024xf32>
    %slice3A_288 = vector.extract_strided_slice %get3A_14 {offsets = [18, 0], sizes = [1, 1024], strides = [1, 1]} : vector<32x1024xf32> to vector<1x1024xf32>
    %slice3A_289 = vector.extract_strided_slice %get3A_19 {offsets = [18, 0], sizes = [1, 1024], strides = [1, 1]} : vector<32x1024xf32> to vector<1x1024xf32>
    %concatenate3A_290 = tpu.concatenate %slice3A_287, %slice3A_288, %slice3A_289 in 0 : vector<1x1024xf32>, vector<1x1024xf32>, vector<1x1024xf32> -> vector<3x1024xf32>
    %dot_general3A_291 = arith.constant dense<0.000000e+00> : vector<32x1024xf32>
    %dot_general3A_292 = tpu.matmul %get3A_1, %concatenate3A_290, %dot_general3A_291 {dimension_numbers = #tpu.dot_dimension_numbers<[1], [0], [0], [1], [0, 0, 1, 1], [], []>, precision = #tpu.contract_precision<fp32>, transpose_lhs_hint = false} : vector<32x3xf32>, vector<3x1024xf32>, vector<32x1024xf32> -> vector<32x1024xf32>
    %max3A_293 = arith.constant 0.000000e+00 : f32
    %max3A_294 = vector.broadcast %max3A_293 : f32 to vector<32x1024xf32>
    %max3A_295 = arith.maximumf %dot_general3A_292, %max3A_294 : vector<32x1024xf32>
    %dot_general3A_296 = arith.constant dense<0.000000e+00> : vector<64x1024xf32>
    %dot_general3A_297 = tpu.matmul %get3A_4, %max3A_295, %dot_general3A_296 {dimension_numbers = #tpu.dot_dimension_numbers<[1], [0], [0], [1], [0, 0, 1, 1], [], []>, precision = #tpu.contract_precision<fp32>, transpose_lhs_hint = false} : vector<64x32xf32>, vector<32x1024xf32>, vector<64x1024xf32> -> vector<64x1024xf32>
    %max3A_298 = arith.constant 0.000000e+00 : f32
    %max3A_299 = vector.broadcast %max3A_298 : f32 to vector<64x1024xf32>
    %max3A_300 = arith.maximumf %dot_general3A_297, %max3A_299 : vector<64x1024xf32>
    %max3A_301 = arith.maximumf %max3A_286, %max3A_300 : vector<64x1024xf32>
    %slice3A_302 = vector.extract_strided_slice %get3A_9 {offsets = [19, 0], sizes = [1, 1024], strides = [1, 1]} : vector<32x1024xf32> to vector<1x1024xf32>
    %slice3A_303 = vector.extract_strided_slice %get3A_14 {offsets = [19, 0], sizes = [1, 1024], strides = [1, 1]} : vector<32x1024xf32> to vector<1x1024xf32>
    %slice3A_304 = vector.extract_strided_slice %get3A_19 {offsets = [19, 0], sizes = [1, 1024], strides = [1, 1]} : vector<32x1024xf32> to vector<1x1024xf32>
    %concatenate3A_305 = tpu.concatenate %slice3A_302, %slice3A_303, %slice3A_304 in 0 : vector<1x1024xf32>, vector<1x1024xf32>, vector<1x1024xf32> -> vector<3x1024xf32>
    %dot_general3A_306 = arith.constant dense<0.000000e+00> : vector<32x1024xf32>
    %dot_general3A_307 = tpu.matmul %get3A_1, %concatenate3A_305, %dot_general3A_306 {dimension_numbers = #tpu.dot_dimension_numbers<[1], [0], [0], [1], [0, 0, 1, 1], [], []>, precision = #tpu.contract_precision<fp32>, transpose_lhs_hint = false} : vector<32x3xf32>, vector<3x1024xf32>, vector<32x1024xf32> -> vector<32x1024xf32>
    %max3A_308 = arith.constant 0.000000e+00 : f32
    %max3A_309 = vector.broadcast %max3A_308 : f32 to vector<32x1024xf32>
    %max3A_310 = arith.maximumf %dot_general3A_307, %max3A_309 : vector<32x1024xf32>
    %dot_general3A_311 = arith.constant dense<0.000000e+00> : vector<64x1024xf32>
    %dot_general3A_312 = tpu.matmul %get3A_4, %max3A_310, %dot_general3A_311 {dimension_numbers = #tpu.dot_dimension_numbers<[1], [0], [0], [1], [0, 0, 1, 1], [], []>, precision = #tpu.contract_precision<fp32>, transpose_lhs_hint = false} : vector<64x32xf32>, vector<32x1024xf32>, vector<64x1024xf32> -> vector<64x1024xf32>
    %max3A_313 = arith.constant 0.000000e+00 : f32
    %max3A_314 = vector.broadcast %max3A_313 : f32 to vector<64x1024xf32>
    %max3A_315 = arith.maximumf %dot_general3A_312, %max3A_314 : vector<64x1024xf32>
    %max3A_316 = arith.maximumf %max3A_301, %max3A_315 : vector<64x1024xf32>
    %slice3A_317 = vector.extract_strided_slice %get3A_9 {offsets = [20, 0], sizes = [1, 1024], strides = [1, 1]} : vector<32x1024xf32> to vector<1x1024xf32>
    %slice3A_318 = vector.extract_strided_slice %get3A_14 {offsets = [20, 0], sizes = [1, 1024], strides = [1, 1]} : vector<32x1024xf32> to vector<1x1024xf32>
    %slice3A_319 = vector.extract_strided_slice %get3A_19 {offsets = [20, 0], sizes = [1, 1024], strides = [1, 1]} : vector<32x1024xf32> to vector<1x1024xf32>
    %concatenate3A_320 = tpu.concatenate %slice3A_317, %slice3A_318, %slice3A_319 in 0 : vector<1x1024xf32>, vector<1x1024xf32>, vector<1x1024xf32> -> vector<3x1024xf32>
    %dot_general3A_321 = arith.constant dense<0.000000e+00> : vector<32x1024xf32>
    %dot_general3A_322 = tpu.matmul %get3A_1, %concatenate3A_320, %dot_general3A_321 {dimension_numbers = #tpu.dot_dimension_numbers<[1], [0], [0], [1], [0, 0, 1, 1], [], []>, precision = #tpu.contract_precision<fp32>, transpose_lhs_hint = false} : vector<32x3xf32>, vector<3x1024xf32>, vector<32x1024xf32> -> vector<32x1024xf32>
    %max3A_323 = arith.constant 0.000000e+00 : f32
    %max3A_324 = vector.broadcast %max3A_323 : f32 to vector<32x1024xf32>
    %max3A_325 = arith.maximumf %dot_general3A_322, %max3A_324 : vector<32x1024xf32>
    %dot_general3A_326 = arith.constant dense<0.000000e+00> : vector<64x1024xf32>
    %dot_general3A_327 = tpu.matmul %get3A_4, %max3A_325, %dot_general3A_326 {dimension_numbers = #tpu.dot_dimension_numbers<[1], [0], [0], [1], [0, 0, 1, 1], [], []>, precision = #tpu.contract_precision<fp32>, transpose_lhs_hint = false} : vector<64x32xf32>, vector<32x1024xf32>, vector<64x1024xf32> -> vector<64x1024xf32>
    %max3A_328 = arith.constant 0.000000e+00 : f32
    %max3A_329 = vector.broadcast %max3A_328 : f32 to vector<64x1024xf32>
    %max3A_330 = arith.maximumf %dot_general3A_327, %max3A_329 : vector<64x1024xf32>
    %max3A_331 = arith.maximumf %max3A_316, %max3A_330 : vector<64x1024xf32>
    %slice3A_332 = vector.extract_strided_slice %get3A_9 {offsets = [21, 0], sizes = [1, 1024], strides = [1, 1]} : vector<32x1024xf32> to vector<1x1024xf32>
    %slice3A_333 = vector.extract_strided_slice %get3A_14 {offsets = [21, 0], sizes = [1, 1024], strides = [1, 1]} : vector<32x1024xf32> to vector<1x1024xf32>
    %slice3A_334 = vector.extract_strided_slice %get3A_19 {offsets = [21, 0], sizes = [1, 1024], strides = [1, 1]} : vector<32x1024xf32> to vector<1x1024xf32>
    %concatenate3A_335 = tpu.concatenate %slice3A_332, %slice3A_333, %slice3A_334 in 0 : vector<1x1024xf32>, vector<1x1024xf32>, vector<1x1024xf32> -> vector<3x1024xf32>
    %dot_general3A_336 = arith.constant dense<0.000000e+00> : vector<32x1024xf32>
    %dot_general3A_337 = tpu.matmul %get3A_1, %concatenate3A_335, %dot_general3A_336 {dimension_numbers = #tpu.dot_dimension_numbers<[1], [0], [0], [1], [0, 0, 1, 1], [], []>, precision = #tpu.contract_precision<fp32>, transpose_lhs_hint = false} : vector<32x3xf32>, vector<3x1024xf32>, vector<32x1024xf32> -> vector<32x1024xf32>
    %max3A_338 = arith.constant 0.000000e+00 : f32
    %max3A_339 = vector.broadcast %max3A_338 : f32 to vector<32x1024xf32>
    %max3A_340 = arith.maximumf %dot_general3A_337, %max3A_339 : vector<32x1024xf32>
    %dot_general3A_341 = arith.constant dense<0.000000e+00> : vector<64x1024xf32>
    %dot_general3A_342 = tpu.matmul %get3A_4, %max3A_340, %dot_general3A_341 {dimension_numbers = #tpu.dot_dimension_numbers<[1], [0], [0], [1], [0, 0, 1, 1], [], []>, precision = #tpu.contract_precision<fp32>, transpose_lhs_hint = false} : vector<64x32xf32>, vector<32x1024xf32>, vector<64x1024xf32> -> vector<64x1024xf32>
    %max3A_343 = arith.constant 0.000000e+00 : f32
    %max3A_344 = vector.broadcast %max3A_343 : f32 to vector<64x1024xf32>
    %max3A_345 = arith.maximumf %dot_general3A_342, %max3A_344 : vector<64x1024xf32>
    %max3A_346 = arith.maximumf %max3A_331, %max3A_345 : vector<64x1024xf32>
    %slice3A_347 = vector.extract_strided_slice %get3A_9 {offsets = [22, 0], sizes = [1, 1024], strides = [1, 1]} : vector<32x1024xf32> to vector<1x1024xf32>
    %slice3A_348 = vector.extract_strided_slice %get3A_14 {offsets = [22, 0], sizes = [1, 1024], strides = [1, 1]} : vector<32x1024xf32> to vector<1x1024xf32>
    %slice3A_349 = vector.extract_strided_slice %get3A_19 {offsets = [22, 0], sizes = [1, 1024], strides = [1, 1]} : vector<32x1024xf32> to vector<1x1024xf32>
    %concatenate3A_350 = tpu.concatenate %slice3A_347, %slice3A_348, %slice3A_349 in 0 : vector<1x1024xf32>, vector<1x1024xf32>, vector<1x1024xf32> -> vector<3x1024xf32>
    %dot_general3A_351 = arith.constant dense<0.000000e+00> : vector<32x1024xf32>
    %dot_general3A_352 = tpu.matmul %get3A_1, %concatenate3A_350, %dot_general3A_351 {dimension_numbers = #tpu.dot_dimension_numbers<[1], [0], [0], [1], [0, 0, 1, 1], [], []>, precision = #tpu.contract_precision<fp32>, transpose_lhs_hint = false} : vector<32x3xf32>, vector<3x1024xf32>, vector<32x1024xf32> -> vector<32x1024xf32>
    %max3A_353 = arith.constant 0.000000e+00 : f32
    %max3A_354 = vector.broadcast %max3A_353 : f32 to vector<32x1024xf32>
    %max3A_355 = arith.maximumf %dot_general3A_352, %max3A_354 : vector<32x1024xf32>
    %dot_general3A_356 = arith.constant dense<0.000000e+00> : vector<64x1024xf32>
    %dot_general3A_357 = tpu.matmul %get3A_4, %max3A_355, %dot_general3A_356 {dimension_numbers = #tpu.dot_dimension_numbers<[1], [0], [0], [1], [0, 0, 1, 1], [], []>, precision = #tpu.contract_precision<fp32>, transpose_lhs_hint = false} : vector<64x32xf32>, vector<32x1024xf32>, vector<64x1024xf32> -> vector<64x1024xf32>
    %max3A_358 = arith.constant 0.000000e+00 : f32
    %max3A_359 = vector.broadcast %max3A_358 : f32 to vector<64x1024xf32>
    %max3A_360 = arith.maximumf %dot_general3A_357, %max3A_359 : vector<64x1024xf32>
    %max3A_361 = arith.maximumf %max3A_346, %max3A_360 : vector<64x1024xf32>
    %slice3A_362 = vector.extract_strided_slice %get3A_9 {offsets = [23, 0], sizes = [1, 1024], strides = [1, 1]} : vector<32x1024xf32> to vector<1x1024xf32>
    %slice3A_363 = vector.extract_strided_slice %get3A_14 {offsets = [23, 0], sizes = [1, 1024], strides = [1, 1]} : vector<32x1024xf32> to vector<1x1024xf32>
    %slice3A_364 = vector.extract_strided_slice %get3A_19 {offsets = [23, 0], sizes = [1, 1024], strides = [1, 1]} : vector<32x1024xf32> to vector<1x1024xf32>
    %concatenate3A_365 = tpu.concatenate %slice3A_362, %slice3A_363, %slice3A_364 in 0 : vector<1x1024xf32>, vector<1x1024xf32>, vector<1x1024xf32> -> vector<3x1024xf32>
    %dot_general3A_366 = arith.constant dense<0.000000e+00> : vector<32x1024xf32>
    %dot_general3A_367 = tpu.matmul %get3A_1, %concatenate3A_365, %dot_general3A_366 {dimension_numbers = #tpu.dot_dimension_numbers<[1], [0], [0], [1], [0, 0, 1, 1], [], []>, precision = #tpu.contract_precision<fp32>, transpose_lhs_hint = false} : vector<32x3xf32>, vector<3x1024xf32>, vector<32x1024xf32> -> vector<32x1024xf32>
    %max3A_368 = arith.constant 0.000000e+00 : f32
    %max3A_369 = vector.broadcast %max3A_368 : f32 to vector<32x1024xf32>
    %max3A_370 = arith.maximumf %dot_general3A_367, %max3A_369 : vector<32x1024xf32>
    %dot_general3A_371 = arith.constant dense<0.000000e+00> : vector<64x1024xf32>
    %dot_general3A_372 = tpu.matmul %get3A_4, %max3A_370, %dot_general3A_371 {dimension_numbers = #tpu.dot_dimension_numbers<[1], [0], [0], [1], [0, 0, 1, 1], [], []>, precision = #tpu.contract_precision<fp32>, transpose_lhs_hint = false} : vector<64x32xf32>, vector<32x1024xf32>, vector<64x1024xf32> -> vector<64x1024xf32>
    %max3A_373 = arith.constant 0.000000e+00 : f32
    %max3A_374 = vector.broadcast %max3A_373 : f32 to vector<64x1024xf32>
    %max3A_375 = arith.maximumf %dot_general3A_372, %max3A_374 : vector<64x1024xf32>
    %max3A_376 = arith.maximumf %max3A_361, %max3A_375 : vector<64x1024xf32>
    %slice3A_377 = vector.extract_strided_slice %get3A_9 {offsets = [24, 0], sizes = [1, 1024], strides = [1, 1]} : vector<32x1024xf32> to vector<1x1024xf32>
    %slice3A_378 = vector.extract_strided_slice %get3A_14 {offsets = [24, 0], sizes = [1, 1024], strides = [1, 1]} : vector<32x1024xf32> to vector<1x1024xf32>
    %slice3A_379 = vector.extract_strided_slice %get3A_19 {offsets = [24, 0], sizes = [1, 1024], strides = [1, 1]} : vector<32x1024xf32> to vector<1x1024xf32>
    %concatenate3A_380 = tpu.concatenate %slice3A_377, %slice3A_378, %slice3A_379 in 0 : vector<1x1024xf32>, vector<1x1024xf32>, vector<1x1024xf32> -> vector<3x1024xf32>
    %dot_general3A_381 = arith.constant dense<0.000000e+00> : vector<32x1024xf32>
    %dot_general3A_382 = tpu.matmul %get3A_1, %concatenate3A_380, %dot_general3A_381 {dimension_numbers = #tpu.dot_dimension_numbers<[1], [0], [0], [1], [0, 0, 1, 1], [], []>, precision = #tpu.contract_precision<fp32>, transpose_lhs_hint = false} : vector<32x3xf32>, vector<3x1024xf32>, vector<32x1024xf32> -> vector<32x1024xf32>
    %max3A_383 = arith.constant 0.000000e+00 : f32
    %max3A_384 = vector.broadcast %max3A_383 : f32 to vector<32x1024xf32>
    %max3A_385 = arith.maximumf %dot_general3A_382, %max3A_384 : vector<32x1024xf32>
    %dot_general3A_386 = arith.constant dense<0.000000e+00> : vector<64x1024xf32>
    %dot_general3A_387 = tpu.matmul %get3A_4, %max3A_385, %dot_general3A_386 {dimension_numbers = #tpu.dot_dimension_numbers<[1], [0], [0], [1], [0, 0, 1, 1], [], []>, precision = #tpu.contract_precision<fp32>, transpose_lhs_hint = false} : vector<64x32xf32>, vector<32x1024xf32>, vector<64x1024xf32> -> vector<64x1024xf32>
    %max3A_388 = arith.constant 0.000000e+00 : f32
    %max3A_389 = vector.broadcast %max3A_388 : f32 to vector<64x1024xf32>
    %max3A_390 = arith.maximumf %dot_general3A_387, %max3A_389 : vector<64x1024xf32>
    %max3A_391 = arith.maximumf %max3A_376, %max3A_390 : vector<64x1024xf32>
    %slice3A_392 = vector.extract_strided_slice %get3A_9 {offsets = [25, 0], sizes = [1, 1024], strides = [1, 1]} : vector<32x1024xf32> to vector<1x1024xf32>
    %slice3A_393 = vector.extract_strided_slice %get3A_14 {offsets = [25, 0], sizes = [1, 1024], strides = [1, 1]} : vector<32x1024xf32> to vector<1x1024xf32>
    %slice3A_394 = vector.extract_strided_slice %get3A_19 {offsets = [25, 0], sizes = [1, 1024], strides = [1, 1]} : vector<32x1024xf32> to vector<1x1024xf32>
    %concatenate3A_395 = tpu.concatenate %slice3A_392, %slice3A_393, %slice3A_394 in 0 : vector<1x1024xf32>, vector<1x1024xf32>, vector<1x1024xf32> -> vector<3x1024xf32>
    %dot_general3A_396 = arith.constant dense<0.000000e+00> : vector<32x1024xf32>
    %dot_general3A_397 = tpu.matmul %get3A_1, %concatenate3A_395, %dot_general3A_396 {dimension_numbers = #tpu.dot_dimension_numbers<[1], [0], [0], [1], [0, 0, 1, 1], [], []>, precision = #tpu.contract_precision<fp32>, transpose_lhs_hint = false} : vector<32x3xf32>, vector<3x1024xf32>, vector<32x1024xf32> -> vector<32x1024xf32>
    %max3A_398 = arith.constant 0.000000e+00 : f32
    %max3A_399 = vector.broadcast %max3A_398 : f32 to vector<32x1024xf32>
    %max3A_400 = arith.maximumf %dot_general3A_397, %max3A_399 : vector<32x1024xf32>
    %dot_general3A_401 = arith.constant dense<0.000000e+00> : vector<64x1024xf32>
    %dot_general3A_402 = tpu.matmul %get3A_4, %max3A_400, %dot_general3A_401 {dimension_numbers = #tpu.dot_dimension_numbers<[1], [0], [0], [1], [0, 0, 1, 1], [], []>, precision = #tpu.contract_precision<fp32>, transpose_lhs_hint = false} : vector<64x32xf32>, vector<32x1024xf32>, vector<64x1024xf32> -> vector<64x1024xf32>
    %max3A_403 = arith.constant 0.000000e+00 : f32
    %max3A_404 = vector.broadcast %max3A_403 : f32 to vector<64x1024xf32>
    %max3A_405 = arith.maximumf %dot_general3A_402, %max3A_404 : vector<64x1024xf32>
    %max3A_406 = arith.maximumf %max3A_391, %max3A_405 : vector<64x1024xf32>
    %slice3A_407 = vector.extract_strided_slice %get3A_9 {offsets = [26, 0], sizes = [1, 1024], strides = [1, 1]} : vector<32x1024xf32> to vector<1x1024xf32>
    %slice3A_408 = vector.extract_strided_slice %get3A_14 {offsets = [26, 0], sizes = [1, 1024], strides = [1, 1]} : vector<32x1024xf32> to vector<1x1024xf32>
    %slice3A_409 = vector.extract_strided_slice %get3A_19 {offsets = [26, 0], sizes = [1, 1024], strides = [1, 1]} : vector<32x1024xf32> to vector<1x1024xf32>
    %concatenate3A_410 = tpu.concatenate %slice3A_407, %slice3A_408, %slice3A_409 in 0 : vector<1x1024xf32>, vector<1x1024xf32>, vector<1x1024xf32> -> vector<3x1024xf32>
    %dot_general3A_411 = arith.constant dense<0.000000e+00> : vector<32x1024xf32>
    %dot_general3A_412 = tpu.matmul %get3A_1, %concatenate3A_410, %dot_general3A_411 {dimension_numbers = #tpu.dot_dimension_numbers<[1], [0], [0], [1], [0, 0, 1, 1], [], []>, precision = #tpu.contract_precision<fp32>, transpose_lhs_hint = false} : vector<32x3xf32>, vector<3x1024xf32>, vector<32x1024xf32> -> vector<32x1024xf32>
    %max3A_413 = arith.constant 0.000000e+00 : f32
    %max3A_414 = vector.broadcast %max3A_413 : f32 to vector<32x1024xf32>
    %max3A_415 = arith.maximumf %dot_general3A_412, %max3A_414 : vector<32x1024xf32>
    %dot_general3A_416 = arith.constant dense<0.000000e+00> : vector<64x1024xf32>
    %dot_general3A_417 = tpu.matmul %get3A_4, %max3A_415, %dot_general3A_416 {dimension_numbers = #tpu.dot_dimension_numbers<[1], [0], [0], [1], [0, 0, 1, 1], [], []>, precision = #tpu.contract_precision<fp32>, transpose_lhs_hint = false} : vector<64x32xf32>, vector<32x1024xf32>, vector<64x1024xf32> -> vector<64x1024xf32>
    %max3A_418 = arith.constant 0.000000e+00 : f32
    %max3A_419 = vector.broadcast %max3A_418 : f32 to vector<64x1024xf32>
    %max3A_420 = arith.maximumf %dot_general3A_417, %max3A_419 : vector<64x1024xf32>
    %max3A_421 = arith.maximumf %max3A_406, %max3A_420 : vector<64x1024xf32>
    %slice3A_422 = vector.extract_strided_slice %get3A_9 {offsets = [27, 0], sizes = [1, 1024], strides = [1, 1]} : vector<32x1024xf32> to vector<1x1024xf32>
    %slice3A_423 = vector.extract_strided_slice %get3A_14 {offsets = [27, 0], sizes = [1, 1024], strides = [1, 1]} : vector<32x1024xf32> to vector<1x1024xf32>
    %slice3A_424 = vector.extract_strided_slice %get3A_19 {offsets = [27, 0], sizes = [1, 1024], strides = [1, 1]} : vector<32x1024xf32> to vector<1x1024xf32>
    %concatenate3A_425 = tpu.concatenate %slice3A_422, %slice3A_423, %slice3A_424 in 0 : vector<1x1024xf32>, vector<1x1024xf32>, vector<1x1024xf32> -> vector<3x1024xf32>
    %dot_general3A_426 = arith.constant dense<0.000000e+00> : vector<32x1024xf32>
    %dot_general3A_427 = tpu.matmul %get3A_1, %concatenate3A_425, %dot_general3A_426 {dimension_numbers = #tpu.dot_dimension_numbers<[1], [0], [0], [1], [0, 0, 1, 1], [], []>, precision = #tpu.contract_precision<fp32>, transpose_lhs_hint = false} : vector<32x3xf32>, vector<3x1024xf32>, vector<32x1024xf32> -> vector<32x1024xf32>
    %max3A_428 = arith.constant 0.000000e+00 : f32
    %max3A_429 = vector.broadcast %max3A_428 : f32 to vector<32x1024xf32>
    %max3A_430 = arith.maximumf %dot_general3A_427, %max3A_429 : vector<32x1024xf32>
    %dot_general3A_431 = arith.constant dense<0.000000e+00> : vector<64x1024xf32>
    %dot_general3A_432 = tpu.matmul %get3A_4, %max3A_430, %dot_general3A_431 {dimension_numbers = #tpu.dot_dimension_numbers<[1], [0], [0], [1], [0, 0, 1, 1], [], []>, precision = #tpu.contract_precision<fp32>, transpose_lhs_hint = false} : vector<64x32xf32>, vector<32x1024xf32>, vector<64x1024xf32> -> vector<64x1024xf32>
    %max3A_433 = arith.constant 0.000000e+00 : f32
    %max3A_434 = vector.broadcast %max3A_433 : f32 to vector<64x1024xf32>
    %max3A_435 = arith.maximumf %dot_general3A_432, %max3A_434 : vector<64x1024xf32>
    %max3A_436 = arith.maximumf %max3A_421, %max3A_435 : vector<64x1024xf32>
    %slice3A_437 = vector.extract_strided_slice %get3A_9 {offsets = [28, 0], sizes = [1, 1024], strides = [1, 1]} : vector<32x1024xf32> to vector<1x1024xf32>
    %slice3A_438 = vector.extract_strided_slice %get3A_14 {offsets = [28, 0], sizes = [1, 1024], strides = [1, 1]} : vector<32x1024xf32> to vector<1x1024xf32>
    %slice3A_439 = vector.extract_strided_slice %get3A_19 {offsets = [28, 0], sizes = [1, 1024], strides = [1, 1]} : vector<32x1024xf32> to vector<1x1024xf32>
    %concatenate3A_440 = tpu.concatenate %slice3A_437, %slice3A_438, %slice3A_439 in 0 : vector<1x1024xf32>, vector<1x1024xf32>, vector<1x1024xf32> -> vector<3x1024xf32>
    %dot_general3A_441 = arith.constant dense<0.000000e+00> : vector<32x1024xf32>
    %dot_general3A_442 = tpu.matmul %get3A_1, %concatenate3A_440, %dot_general3A_441 {dimension_numbers = #tpu.dot_dimension_numbers<[1], [0], [0], [1], [0, 0, 1, 1], [], []>, precision = #tpu.contract_precision<fp32>, transpose_lhs_hint = false} : vector<32x3xf32>, vector<3x1024xf32>, vector<32x1024xf32> -> vector<32x1024xf32>
    %max3A_443 = arith.constant 0.000000e+00 : f32
    %max3A_444 = vector.broadcast %max3A_443 : f32 to vector<32x1024xf32>
    %max3A_445 = arith.maximumf %dot_general3A_442, %max3A_444 : vector<32x1024xf32>
    %dot_general3A_446 = arith.constant dense<0.000000e+00> : vector<64x1024xf32>
    %dot_general3A_447 = tpu.matmul %get3A_4, %max3A_445, %dot_general3A_446 {dimension_numbers = #tpu.dot_dimension_numbers<[1], [0], [0], [1], [0, 0, 1, 1], [], []>, precision = #tpu.contract_precision<fp32>, transpose_lhs_hint = false} : vector<64x32xf32>, vector<32x1024xf32>, vector<64x1024xf32> -> vector<64x1024xf32>
    %max3A_448 = arith.constant 0.000000e+00 : f32
    %max3A_449 = vector.broadcast %max3A_448 : f32 to vector<64x1024xf32>
    %max3A_450 = arith.maximumf %dot_general3A_447, %max3A_449 : vector<64x1024xf32>
    %max3A_451 = arith.maximumf %max3A_436, %max3A_450 : vector<64x1024xf32>
    %slice3A_452 = vector.extract_strided_slice %get3A_9 {offsets = [29, 0], sizes = [1, 1024], strides = [1, 1]} : vector<32x1024xf32> to vector<1x1024xf32>
    %slice3A_453 = vector.extract_strided_slice %get3A_14 {offsets = [29, 0], sizes = [1, 1024], strides = [1, 1]} : vector<32x1024xf32> to vector<1x1024xf32>
    %slice3A_454 = vector.extract_strided_slice %get3A_19 {offsets = [29, 0], sizes = [1, 1024], strides = [1, 1]} : vector<32x1024xf32> to vector<1x1024xf32>
    %concatenate3A_455 = tpu.concatenate %slice3A_452, %slice3A_453, %slice3A_454 in 0 : vector<1x1024xf32>, vector<1x1024xf32>, vector<1x1024xf32> -> vector<3x1024xf32>
    %dot_general3A_456 = arith.constant dense<0.000000e+00> : vector<32x1024xf32>
    %dot_general3A_457 = tpu.matmul %get3A_1, %concatenate3A_455, %dot_general3A_456 {dimension_numbers = #tpu.dot_dimension_numbers<[1], [0], [0], [1], [0, 0, 1, 1], [], []>, precision = #tpu.contract_precision<fp32>, transpose_lhs_hint = false} : vector<32x3xf32>, vector<3x1024xf32>, vector<32x1024xf32> -> vector<32x1024xf32>
    %max3A_458 = arith.constant 0.000000e+00 : f32
    %max3A_459 = vector.broadcast %max3A_458 : f32 to vector<32x1024xf32>
    %max3A_460 = arith.maximumf %dot_general3A_457, %max3A_459 : vector<32x1024xf32>
    %dot_general3A_461 = arith.constant dense<0.000000e+00> : vector<64x1024xf32>
    %dot_general3A_462 = tpu.matmul %get3A_4, %max3A_460, %dot_general3A_461 {dimension_numbers = #tpu.dot_dimension_numbers<[1], [0], [0], [1], [0, 0, 1, 1], [], []>, precision = #tpu.contract_precision<fp32>, transpose_lhs_hint = false} : vector<64x32xf32>, vector<32x1024xf32>, vector<64x1024xf32> -> vector<64x1024xf32>
    %max3A_463 = arith.constant 0.000000e+00 : f32
    %max3A_464 = vector.broadcast %max3A_463 : f32 to vector<64x1024xf32>
    %max3A_465 = arith.maximumf %dot_general3A_462, %max3A_464 : vector<64x1024xf32>
    %max3A_466 = arith.maximumf %max3A_451, %max3A_465 : vector<64x1024xf32>
    %slice3A_467 = vector.extract_strided_slice %get3A_9 {offsets = [30, 0], sizes = [1, 1024], strides = [1, 1]} : vector<32x1024xf32> to vector<1x1024xf32>
    %slice3A_468 = vector.extract_strided_slice %get3A_14 {offsets = [30, 0], sizes = [1, 1024], strides = [1, 1]} : vector<32x1024xf32> to vector<1x1024xf32>
    %slice3A_469 = vector.extract_strided_slice %get3A_19 {offsets = [30, 0], sizes = [1, 1024], strides = [1, 1]} : vector<32x1024xf32> to vector<1x1024xf32>
    %concatenate3A_470 = tpu.concatenate %slice3A_467, %slice3A_468, %slice3A_469 in 0 : vector<1x1024xf32>, vector<1x1024xf32>, vector<1x1024xf32> -> vector<3x1024xf32>
    %dot_general3A_471 = arith.constant dense<0.000000e+00> : vector<32x1024xf32>
    %dot_general3A_472 = tpu.matmul %get3A_1, %concatenate3A_470, %dot_general3A_471 {dimension_numbers = #tpu.dot_dimension_numbers<[1], [0], [0], [1], [0, 0, 1, 1], [], []>, precision = #tpu.contract_precision<fp32>, transpose_lhs_hint = false} : vector<32x3xf32>, vector<3x1024xf32>, vector<32x1024xf32> -> vector<32x1024xf32>
    %max3A_473 = arith.constant 0.000000e+00 : f32
    %max3A_474 = vector.broadcast %max3A_473 : f32 to vector<32x1024xf32>
    %max3A_475 = arith.maximumf %dot_general3A_472, %max3A_474 : vector<32x1024xf32>
    %dot_general3A_476 = arith.constant dense<0.000000e+00> : vector<64x1024xf32>
    %dot_general3A_477 = tpu.matmul %get3A_4, %max3A_475, %dot_general3A_476 {dimension_numbers = #tpu.dot_dimension_numbers<[1], [0], [0], [1], [0, 0, 1, 1], [], []>, precision = #tpu.contract_precision<fp32>, transpose_lhs_hint = false} : vector<64x32xf32>, vector<32x1024xf32>, vector<64x1024xf32> -> vector<64x1024xf32>
    %max3A_478 = arith.constant 0.000000e+00 : f32
    %max3A_479 = vector.broadcast %max3A_478 : f32 to vector<64x1024xf32>
    %max3A_480 = arith.maximumf %dot_general3A_477, %max3A_479 : vector<64x1024xf32>
    %max3A_481 = arith.maximumf %max3A_466, %max3A_480 : vector<64x1024xf32>
    %slice3A_482 = vector.extract_strided_slice %get3A_9 {offsets = [31, 0], sizes = [1, 1024], strides = [1, 1]} : vector<32x1024xf32> to vector<1x1024xf32>
    %slice3A_483 = vector.extract_strided_slice %get3A_14 {offsets = [31, 0], sizes = [1, 1024], strides = [1, 1]} : vector<32x1024xf32> to vector<1x1024xf32>
    %slice3A_484 = vector.extract_strided_slice %get3A_19 {offsets = [31, 0], sizes = [1, 1024], strides = [1, 1]} : vector<32x1024xf32> to vector<1x1024xf32>
    %concatenate3A_485 = tpu.concatenate %slice3A_482, %slice3A_483, %slice3A_484 in 0 : vector<1x1024xf32>, vector<1x1024xf32>, vector<1x1024xf32> -> vector<3x1024xf32>
    %dot_general3A_486 = arith.constant dense<0.000000e+00> : vector<32x1024xf32>
    %dot_general3A_487 = tpu.matmul %get3A_1, %concatenate3A_485, %dot_general3A_486 {dimension_numbers = #tpu.dot_dimension_numbers<[1], [0], [0], [1], [0, 0, 1, 1], [], []>, precision = #tpu.contract_precision<fp32>, transpose_lhs_hint = false} : vector<32x3xf32>, vector<3x1024xf32>, vector<32x1024xf32> -> vector<32x1024xf32>
    %max3A_488 = arith.constant 0.000000e+00 : f32
    %max3A_489 = vector.broadcast %max3A_488 : f32 to vector<32x1024xf32>
    %max3A_490 = arith.maximumf %dot_general3A_487, %max3A_489 : vector<32x1024xf32>
    %dot_general3A_491 = arith.constant dense<0.000000e+00> : vector<64x1024xf32>
    %dot_general3A_492 = tpu.matmul %get3A_4, %max3A_490, %dot_general3A_491 {dimension_numbers = #tpu.dot_dimension_numbers<[1], [0], [0], [1], [0, 0, 1, 1], [], []>, precision = #tpu.contract_precision<fp32>, transpose_lhs_hint = false} : vector<64x32xf32>, vector<32x1024xf32>, vector<64x1024xf32> -> vector<64x1024xf32>
    %max3A_493 = arith.constant 0.000000e+00 : f32
    %max3A_494 = vector.broadcast %max3A_493 : f32 to vector<64x1024xf32>
    %max3A_495 = arith.maximumf %dot_general3A_492, %max3A_494 : vector<64x1024xf32>
    %max3A_496 = arith.maximumf %max3A_481, %max3A_495 : vector<64x1024xf32>
    %swap3A = arith.constant 0 : index
    %swap3A_497 = arith.constant 0 : index
    %swap3A_498 = arith.constant 0 : index
    %swap3A_499 = vector.load %arg6[%swap3A, %swap3A_497, %swap3A_498] : memref<1x64x1024xf32, #tpu.memory_space<vmem>>, vector<1x64x1024xf32>
    %swap3A_500 = vector.shape_cast %swap3A_499 : vector<1x64x1024xf32> to vector<64x1024xf32>
    %swap3A_501 = vector.shape_cast %max3A_496 : vector<64x1024xf32> to vector<1x64x1024xf32>
    tpu.vector_store %arg6[%swap3A, %swap3A_497, %swap3A_498], %swap3A_501 {strides = array<i32>} : memref<1x64x1024xf32, #tpu.memory_space<vmem>>, vector<1x64x1024xf32>,
    return
  }
  func.func @transform_0(%arg0: i32) -> (i32, i32, i32) {
    %c0_i32 = arith.constant 0 : i32
    %c0_i32_0 = arith.constant 0 : i32
    %c0_i32_1 = arith.constant 0 : i32
    return %arg0, %c0_i32, %c0_i32_0 : i32, i32, i32
  }
  func.func @transform_1(%arg0: i32) -> (i32, i32, i32) {
    %c0_i32 = arith.constant 0 : i32
    %c0_i32_0 = arith.constant 0 : i32
    %c0_i32_1 = arith.constant 0 : i32
    return %arg0, %c0_i32, %c0_i32_0 : i32, i32, i32
  }
  func.func @transform_2(%arg0: i32) -> (i32, i32, i32) {
    %c0_i32 = arith.constant 0 : i32
    %c0_i32_0 = arith.constant 0 : i32
    %c0_i32_1 = arith.constant 0 : i32
    return %arg0, %c0_i32, %c0_i32_0 : i32, i32, i32
  }
  func.func @transform_3(%arg0: i32) -> (i32, i32) {
    %c0_i32 = arith.constant 0 : i32
    %c0_i32_0 = arith.constant 0 : i32
    %c0_i32_1 = arith.constant 0 : i32
    return %c0_i32, %c0_i32_0 : i32, i32
  }
  func.func @transform_4(%arg0: i32) -> (i32, i32) {
    %c0_i32 = arith.constant 0 : i32
    %c0_i32_0 = arith.constant 0 : i32
    %c0_i32_1 = arith.constant 0 : i32
    return %c0_i32, %c0_i32_0 : i32, i32
  }
  func.func @transform_5(%arg0: i32) -> (i32, i32, i32) {
    %c0_i32 = arith.constant 0 : i32
    %c0_i32_0 = arith.constant 0 : i32
    %c0_i32_1 = arith.constant 0 : i32
    return %arg0, %c0_i32, %c0_i32_0 : i32, i32, i32
  }
}

</mosaic_0001>

<sc_bundles>
// kernel: kernel.4.cloned.1.call-start
scs
__scs_entry_jumppad:
0x0: {  	(pc) =	sbr.rel $0x88, $3  }
0x1: {  	(tag) =	ssettag $0x0;
	lr =	simm.s32 $0x1  }
0x2: {  	[smem:$0x3F9E] =	sst lr;
	_ =	strace $0xD0000000  }
0x3: {  	_ = 	snop  }
0x4: {  	_ = 	snop  }
0x5: {  	_ = 	snop  }
0x6: {  	_ = 	snop  }
0x7: {  	_ = 	snop  }
__scs_overlays_trampoline_lowered:
0x8: {  	[smem:$0x3FAD] =	sst s0  }
0x9: {  	[smem:$0x3FAE] =	sst s1  }
0xa: {  	[smem:$0x3FAF] =	sst s2  }
0xb: {  	[smem:$0x3FB0] =	sst s3  }
0xc: {  	[smem:$0x3FB1] =	sst s4  }
0xd: {  	[smem:$0x3FB2] =	sst s5  }
0xe: {  	[smem:$0x3FB3] =	sst s6  }
0xf: {  	[smem:$0x3FB4] =	sst s7  }
0x10: {  	[smem:$0x3FB5] =	sst s8  }
0x11: {  	[smem:$0x3FB6] =	sst s9;
	s0 =	simm.s32 @!p0 $0x0  }
0x12: {  	s1 =	sld [smem:$0x3F9C];
	s0 =	simm.s32 @p0 $0x1  }
0x13: {  	[smem:$0x3FB7] =	sst s0;
	s0 =	simm.s32 @!p1 $0x0  }
0x14: {  	s2 =	sld [smem:$0x3F9B];
	s0 =	simm.s32 @p1 $0x1  }
0x15: {  	[smem:$0x3FB8] =	sst s0;
	s0 =	simm.s32 @!p2 $0x0  }
0x16: {  	s3 =	sld [smem:$0x3FDB];
	s0 =	simm.s32 @p2 $0x1  }
0x17: {  	s4 =	simm.s32 $0x1BF5;
	[smem:$0x3FBA] =	sst s0  }
0x18: {  	s0 =	sld [smem:$0x3F9D];
	_ =	swait.ge [sflag:s4], $0x0  }
0x19: {  	s7 =	sld [smem:$0x3F9E]  }
0x1a: {  	s8 =	sadd.s32 $0xFFFFE003, lr  }
0x1b: {  	s9 =	sadd.s32 $0xFFFFFEF7, lr;
	s5 =	simm.s32 $0xFFFFFFFF;
	p2 =	slt.u32 s8, $0xFFFFF086  }
0x1c: {  	p1 =	slt.u32 s9, $0xF7A;
	s5 =	simm.s32 @!p2 $0x0  }
0x1d: {  	s5 =	simm.s32 @p1 $0x1;
	p0 =	seq.s32 s7, s2  }
0x1e: {  	s7 =	smul.u32 @!p0 $0xF7A, s2;
	p2 =	seq.s32 @!p0 s5, $0x0  }
0x1f: {  	s9 =	smul.u32 $0xF7A, s1;
	s8 =	simm.s32 @!p0 $0x1BF5;
	p2 =	por !p2, p0  }
0x20: {  	[sflag:s8] =	ssyncset.s32 @!p0 $0xFFFFF086;
	s6 =	sadd.s32 @!p0 s3, s7;
	s7 =	simm.s32 @!p0 $0x108  }
0x21: {  	s3 =	sadd.s32 s3, s9;
	s6 =	sadd.s32 @!p0 $0x88, s6;
	s7 =	simm.s32 @p2 $0x1082  }
0x22: {  	[simem:s7], [sflag:s8] =	dma.local @!p0 [hbm:s6], $0xF7A  }
0x23: {  	s9 =	sor.u32 $0xD0000000, s2;
	s6 =	simm.s32 $0x108;
	_ =	swait.ge @!p0 [sflag:s8], $0x0  }
0x24: {  	s3 =	sadd.s32 $0x88, s3;
	s6 =	simm.s32 @!p1 $0x1082;
	[sflag:s4] =	ssyncset.s32 $0xFFFFF086  }
0x25: {  	[simem:s6], [sflag:s4] =	dma.local [hbm:s3], $0xF7A  }
0x26: {  	[smem:$0x3F9E] =	sst s1;
	(tag) =	ssettag s2;
	_ =	strace s9  }
0x27: {  	s1 =	sld [smem:$0x3FAE]  }
0x28: {  	s2 =	sld [smem:$0x3FAF]  }
0x29: {  	s4 =	sld [smem:$0x3FB1]  }
0x2a: {  	p0 =	seq.s32 s5, $0x0;
	s5 =	sld [smem:$0x3FB2]  }
0x2b: {  	s6 =	sld [smem:$0x3FB3]  }
0x2c: {  	s7 =	sld [smem:$0x3FB4]  }
0x2d: {  	s3 =	simm.s32 $0x108;
	s8 =	sld [smem:$0x3FB5]  }
0x2e: {  	s3 =	simm.s32 @!p0 $0x1082;
	s9 =	sld [smem:$0x3FB6]  }
0x2f: {  	lr =	sadd.s32 s0, s3;
	s0 =	sld [smem:$0x3FAD]  }
0x30: {  	s3 =	sld [smem:$0x3FB0]  }
0x31: {  	[smem:$0x3FB9] =	sst s10  }
0x32: {  	s10 =	sld [smem:$0x3FB7];
	_ =	sdelay $0x3  }
0x33: {  	p0 =	seq.s32 s10, $0x1;
	s10 =	sld [smem:$0x3FB9];
	_ =	sdelay $0x3  }
0x34: {  	[smem:$0x3FB9] =	sst s10  }
0x35: {  	s10 =	sld [smem:$0x3FB8];
	_ =	sdelay $0x3  }
0x36: {  	p1 =	seq.s32 s10, $0x1;
	s10 =	sld [smem:$0x3FB9];
	_ =	sdelay $0x3  }
0x37: {  	[smem:$0x3FB9] =	sst s10  }
0x38: {  	s10 =	sld [smem:$0x3FBA]  }
0x39: {  	_ = 	snop;
	(pc) =	sbr.ind lr, $3  }
0x3a: {  	_ = 	snop  }
0x3b: {  	_ = 	snop  }
0x3c: {  	p2 =	seq.s32 s10, $0x1;
	s10 =	sld [smem:$0x3FB9]  }
0x3d: {  	_ =	shalt  }
0x3e: {  	_ =	shalt  }
0x3f: {  	_ =	shalt  }
0x40: {  	_ =	shalt  }
0x41: {  	_ =	shalt  }
0x42: {  	_ =	shalt  }
0x43: {  	_ =	shalt  }
0x44: {  	_ =	shalt  }
0x45: {  	_ =	shalt  }
0x46: {  	_ =	shalt  }
0x47: {  	_ =	shalt  }
0x48: {  	_ =	shalt  }
0x49: {  	_ =	shalt  }
0x4a: {  	_ =	shalt  }
0x4b: {  	_ =	shalt  }
0x4c: {  	_ =	shalt  }
0x4d: {  	_ =	shalt  }
0x4e: {  	_ =	shalt  }
0x4f: {  	_ =	shalt  }
0x50: {  	_ =	shalt  }
0x51: {  	_ =	shalt  }
0x52: {  	_ =	shalt  }
0x53: {  	_ =	shalt  }
0x54: {  	_ =	shalt  }
0x55: {  	_ =	shalt  }
0x56: {  	_ =	shalt  }
0x57: {  	_ =	shalt  }
0x58: {  	_ =	shalt  }
0x59: {  	_ =	shalt  }
0x5a: {  	_ =	shalt  }
0x5b: {  	_ =	shalt  }
0x5c: {  	_ =	shalt  }
0x5d: {  	_ =	shalt  }
0x5e: {  	_ =	shalt  }
0x5f: {  	_ =	shalt  }
0x60: {  	_ =	shalt  }
0x61: {  	_ =	shalt  }
0x62: {  	_ =	shalt  }
0x63: {  	_ =	shalt  }
0x64: {  	_ =	shalt  }
0x65: {  	_ =	shalt  }
0x66: {  	_ =	shalt  }
0x67: {  	_ =	shalt  }
0x68: {  	_ =	shalt  }
0x69: {  	_ =	shalt  }
0x6a: {  	_ =	shalt  }
0x6b: {  	_ =	shalt  }
0x6c: {  	_ =	shalt  }
0x6d: {  	_ =	shalt  }
0x6e: {  	_ =	shalt  }
0x6f: {  	_ =	shalt  }
0x70: {  	_ =	shalt  }
0x71: {  	_ =	shalt  }
0x72: {  	_ =	shalt  }
0x73: {  	_ =	shalt  }
0x74: {  	_ =	shalt  }
0x75: {  	_ =	shalt  }
0x76: {  	_ =	shalt  }
0x77: {  	_ =	shalt  }
0x78: {  	_ =	shalt  }
0x79: {  	_ =	shalt  }
0x7a: {  	_ =	shalt  }
0x7b: {  	_ =	shalt  }
0x7c: {  	_ =	shalt  }
0x7d: {  	_ =	shalt  }
0x7e: {  	_ =	shalt  }
0x7f: {  	_ =	shalt  }
0x80: {  	_ =	shalt  }
0x81: {  	_ =	shalt  }
0x82: {  	_ =	shalt  }
0x83: {  	_ =	shalt  }
0x84: {  	_ =	shalt  }
0x85: {  	_ =	shalt  }
0x86: {  	_ =	shalt  }
0x87: {  	_ =	shalt  }
.Lfunc_end0:
.L_simem_size_0:
called_computation_lowered:
.L_overlay_start_0:
0x88: {  	s2 =	sld [smem:$0x3FD9]  }
0x89: {  	s3 =	sld [smem:$0x3FFE];
	_ =	sdelay $0x1  }
0x8a: {  	s1 =	srdreg.scid  }
0x8b: {  	s0 =	sand.u32 $0x1, s1  }
0x8c: {  	s14 =	sshll.u32 s0, $0xA;
	s2 =	sadd.s32 s3, s2  }
0x8d: {  	s2 =	sadd.s32 s2, s14  }
0x8e: {  	[smem:$0x3FC5] =	sst s2  }
0x8f: {  	_ = 	snop  }
0x90: {  	s2 =	sld [smem:$0x3FD0];
	_ =	sdelay $0x2  }
0x91: {  	s15 =	simm.s32 $0xA;
	s4 =	simm.s32 $0x10  }
0x92: {  	[smem:s4], [sflag:s15] =	dma.local [hbm:s2], $0x1  }
0x93: {  	_ =	swait.eq [sflag:s15], $0x1  }
0x94: {  	[sflag:s15] =	ssyncset.done $0x0  }
0x95: {  	s16 =	sld [smem:$0x10];
	[sflag:s15] =	ssyncadd.s32 $0xFFFFFFFF  }
0x96: {  	s17 =	sld [smem:$0x11];
	(tm) =	ssettm $0x1  }
0x97: {  	s18 =	sld [smem:$0x3FFB];
	_ =	sdelay $0x3  }
0x98: {  	_ =	strace s18  }
0x99: {  	s4 =	sld [smem:$0x3FFC];
	_ =	sdelay $0x3  }
0x9a: {  	_ =	strace s4  }
0x9b: {  	s4 =	sld [smem:$0x3FFD];
	_ =	sdelay $0x3  }
0x9c: {  	_ =	strace s4  }
0x9d: {  	_ =	strace $0x8FFFFFFF  }
0x9e: {  	s19 =	sld [smem:$0x3FDB];
	_ =	sdelay $0x1  }
0x9f: {  	s5 =	simm.s32 $_scs_section_size  }
0xa0: {  	s6 =	simm.s32 $_size__tile_overlayer_lowered;
	s7 =	simm.s32 $_tile_overlayer_lowered  }
0xa1: {  	s22 =	simm.s32 $0x1BFF;
	s21 =	sshll.u32 s7, $0x1;
	s4 =	sadd.s32 s5, s19  }
0xa2: {  	s8 =	simm.s32 $0x0;
	s20 =	sshll.u32 s6, $0x1;
	s6 =	sadd.s32 s21, s4  }
0xa3: {  	[timem:s8], [sflag:s22] =	dma.local [hbm:s6], s20  }
0xa4: {  	_ =	swait.ge [sflag:s22], s20  }
0xa5: {  	s5 =	ssub.s32 $0x0, s20;
	[sflag:s22] =	ssyncset.done $0x0  }
0xa6: {  	[sflag:s22] =	ssyncadd.s32 s5;
	_ =	sdelay $0x1  }
0xa7: {  	s23 =	simm.s32 $0x1B8B  }
0xa8: {  	_ =	swait.ge [sflag:s23], $0x1  }
0xa9: {  	[sflag:s23] =	ssyncset.done $0x0  }
0xaa: {  	s25 =	simm.s32 $0x1B8E;
	s24 =	sld [smem:$0x3FFE];
	[sflag:s23] =	ssyncadd.s32 $0xFFFFFFFF  }
0xab: {  	s26 =	simm.s32 $execute0_lowered;
	[smem:$0x3FD2] =	sst s25  }
0xac: {  	s6 =	sshll.u32 s26, $0x1;
	_ =	strace $0x80000046;
	[dreg:$0x1] =	wrdreg $0xFFFFFFFF  }
0xad: {  	s28 =	simm.s32 $_size_execute0_lowered;
	s4 =	sadd.s32 s4, s6;
	[dreg:$0x0] =	wrdreg $0x0  }
0xae: {  	s6 =	sshll.u32 s28, $0x1;
	[dreg:$0x2] =	wrdreg s4  }
0xaf: {  	[dreg:$0x3] =	wrdreg s6  }
0xb0: {  	[dreg:$0x4] =	wrdreg $0xC0  }
0xb1: {  	_ =	task [dreg:s8], $0x5FFFF  }
0xb2: {  	[dreg:$0x1] =	wrdreg $0xFFFFFFFF  }
0xb3: {  	[dreg:$0x0] =	wrdreg $0x60  }
0xb4: {  	[dreg:$0x2] =	wrdreg s24  }
0xb5: {  	[dreg:$0x3] =	wrdreg s16  }
0xb6: {  	[dreg:$0x4] =	wrdreg s17  }
0xb7: {  	[dreg:$0x5] =	wrdreg $0x9  }
0xb8: {  	_ =	task.clear_ibuf [dreg:s8], $0x6FFFF;
	_ =	strace $0x90000046  }
0xb9: {  	s29 =	simm.s32 $0x9;
	_ =	strace $0x80000048  }
0xba: {  	_ =	swait.ge [sflag:s29], $0x1  }
0xbb: {  	[sflag:s29] =	ssyncadd.s32 $0xFFFFFFFF  }
0xbc: {  	_ =	strace $0x90000048  }
0xbd: {  	_ =	sfence  }
0xbe: {  	s30 =	sld [smem:$0x0];
	_ =	sdelay $0x2  }
0xbf: {  	s31 =	sshll.u32 s1, $0xD;
	s1 =	sshrl.u32 s1, $0x2  }
0xc0: {  	s3 =	sand.u32 $0x4000, s31;
	s1 =	sadd.s32 s1, s30  }
0xc1: {  	s0 =	sor.u32 s3, s0;
	s1 =	sshll.u32 s1, $0x11  }
0xc2: {  	s0 =	sor.u32 s1, s0  }
0xc3: {  	s0 =	sadd.s32 $0x8F2B, s0  }
0xc4: {  	[sflag:s0] =	ssyncadd.remote.s32 $0x1  }
0xc5: {  	_ =	sfence.sel $0xFFFF  }
0xc6: {  	[dreg:$0x0] =	wrdreg $0xFFFFFFFF;
	(pc) =	sbr.abs _section_cstart, $3  }
0xc7: {  	[dreg:$0x1] =	wrdreg $0xFFFFFFFF  }
0xc8: {  	_ =	task.clear_ibuf [dreg:s8], $0x2FFFF;
	_ =	strace $0x9FFFFFFF  }
0xc9: {  	(tm) =	ssettm $0x7FFFFFFF  }
tec
execute0_lowered:
.L_overlay_start_1:
0x0: {  	(tag) =	ssettag $0x1  }
0x1: {  	s4 =	stileid.u32  }
0x2: {  	p0 =	sgt.u32 s4, $0x5  }
.Ltmp0:
0x3: {  	_ = 	snop;
	(pc) =	sbr.rel @p0 .LBB2_15-.Ltmp0, $4  }
0x4: {  	s1 =	rddreg [dreg:$0x0]  }
0x5: {  	s0 =	rddreg [dreg:$0x1];
	s3 =	simm.s32 $0x0  }
0x6: {  	[smem:$0x7FF] =	sst s3  }
0x7: {  	s2 =	rddreg [dreg:$0x2];
	_ =	strace $0x80000047  }
0x8: {  	s4 =	srdreg.scid;
	s5 =	stileid.u32;
	s9 =	sadd.s32 $0x1600, s1  }
0x9: {  	s14 =	simm.s32 $0x80;
	s15 =	simm.s32 $0x400;
	s16 =	simm.s32 $0x1  }
0xa: {  	s17 =	simm.s32 $0x1000;
	s18 =	simm.s32 $0x2000;
	s19 =	simm.s32 $0x4000  }
0xb: {  	s6 =	sand.u32 $0x1, s4;
	s21 =	sshll.u32 s5, $0x1;
	s22 =	sshrl.u32 s5, $0x2  }
0xc: {  	s20 =	simm.s32 $0x4400;
	s7 =	sor.u32 s6, s21;
	s8 =	sshll.u32 s22, $0xF  }
0xd: {  	s4 =	sshll.u32 s22, $0xD;
	s25 =	ssub.s32 $0x2, s6;
	s23 =	sshll.u32 s7, $0x7  }
0xe: {  	s21 =	simm.s32 $0x4800;
	s22 =	simm.s32 $0x4C00;
	s5 =	sand.u32 $0x380, s23  }
0xf: {  	s28 =	sshrl.u32 s25, $0x1;
	s23 =	simm.s32 $0x5C00;
	s4 =	sor.u32 s4, s5  }
0x10: {  	s8 =	sor.u32 s8, s5;
	s5 =	sadd.s32 $0x14600, s1;
	s10 =	sshrl.u32 s4, $0x3  }
0x11: {  	s8 =	sshrl.u32 s8, $0x3;
	s4 =	sadd.s32 $0x8600, s1;
	s0 =	sadd.s32 s0, s10  }
0x12: {  	s11 =	sadd.s32 s8, s1;
	s31 =	sadd.s32 s9, s8;
	[dreg:$0x6] =	wrdreg s0  }
0x13: {  	s12 =	sadd.s32 s10, s1;
	s24 =	sadd.s32 $0x5600, s11;
	[dreg:$0x9] =	wrdreg s31  }
0x14: {  	s26 =	sadd.s32 $0x3600, s11;
	s29 =	sadd.s32 $0x7600, s12;
	[dreg:$0x4] =	wrdreg s24  }
0x15: {  	s30 =	sadd.s32 $0x7E00, s12;
	s0 =	ssub.s32 s25, s28;
	[dreg:$0x5] =	wrdreg s26  }
0x16: {  	s11 =	sshll.u32 s7, $0xC;
	s25 =	simm.s32 $0x0;
	[dreg:$0x7] =	wrdreg s29  }
0x17: {  	v0 =	vimm.f32 $1.000000000e+10;
	v1 =	vlaneseq.u32;
	v2 =	vimm.f32 $0.0e+00;
	[dreg:$0x8] =	wrdreg s30;
	s13 =	smax.u32 s0, $0x1;
	s24 =	simm.s32 $0x6C00  }
.LBB2_2:
0x18: {  	s0 =	rddreg [dreg:$0x9]  }
0x19: {  	[tilespmem:s3], [sflag:$0x1] =	stream.strided.gather [hbm4b:s0+s14], $0x1000, s15, s14, $0x38;
	[tilespmem:$0x7C00] =	vst v63  }
0x1a: {  	_ =	swait.ge [sflag:s16], $0x1000  }
0x1b: {  	[sflag:s16] =	ssyncset.done $0x0  }
0x1c: {  	s30 =	rddreg [dreg:$0x4];
	[sflag:s16] =	ssyncadd.s32 $0xFFFFF000  }
0x1d: {  	[tilespmem:s17], [sflag:$0x1] =	stream.strided.gather [hbm4b:s30+s14], $0x1000, s15, s14, $0x38;
	[tilespmem:$0x7C00] =	vst v63  }
0x1e: {  	_ =	swait.ge [sflag:s16], $0x1000  }
0x1f: {  	[sflag:s16] =	ssyncset.done $0x0  }
0x20: {  	s31 =	rddreg [dreg:$0x5];
	[sflag:s16] =	ssyncadd.s32 $0xFFFFF000  }
0x21: {  	[tilespmem:s18], [sflag:$0x1] =	stream.strided.gather [hbm4b:s31+s14], $0x1000, s15, s14, $0x38;
	[tilespmem:$0x7C00] =	vst v63  }
0x22: {  	_ =	swait.ge [sflag:s16], $0x1000  }
0x23: {  	[sflag:s16] =	ssyncset.done $0x0  }
0x24: {  	s0 =	simm.s32 $0x3040;
	[sflag:s16] =	ssyncadd.s32 $0xFFFFF000  }
0x25: {  	[tilespmem:s0+$0xFFFFFFC0] =	vst v0  }
0x26: {  	[tilespmem:s0+$0x30] =	vst v0  }
0x27: {  	[tilespmem:s0+$0x20] =	vst v0  }
0x28: {  	[tilespmem:s0+$0x10] =	vst v0  }
0x29: {  	[tilespmem:s0+$0x0] =	vst v0  }
0x2a: {  	[tilespmem:s0+$0xFFFFFFF0] =	vst v0  }
0x2b: {  	s1 =	simm.s32 $0x0;
	[tilespmem:s0+$0xFFFFFFE0] =	vst v0  }
.LBB2_3:
0x2c: {  	s1 =	sadd.s32 $0x8, s1;
	[tilespmem:s0+$0xFFFFFFD0] =	vst v0;
	s0 =	sadd.s32 $0x80, s0  }
0x2d: {  	[tilespmem:s0+$0xFFFFFFC0] =	vst v0;
	p0 =	slt.u32 s1, $0xF8  }
0x2e: {  	[tilespmem:s0+$0x30] =	vst v0  }
.Ltmp1:
0x2f: {  	[tilespmem:s0+$0x20] =	vst v0;
	(pc) =	sbr.rel @p0 .LBB2_3-.Ltmp1, $4  }
0x30: {  	[tilespmem:s0+$0x10] =	vst v0  }
0x31: {  	[tilespmem:s0+$0x0] =	vst v0  }
0x32: {  	[tilespmem:s0+$0xFFFFFFF0] =	vst v0  }
0x33: {  	[tilespmem:s0+$0xFFFFFFE0] =	vst v0  }
0x34: {  	[tilespmem:s0+$0xFFFFFFD0] =	vst v0;
	s0 =	simm.s32 $0x0;
	s26 =	simm.s32 $0x0  }
.LBB2_5:
0x35: {  	v3 =	vmov s0;
	_ =	sdelay $0x4  }
0x36: {  	v6 =	vmov s26;
	v5 =	vld.idx.msk [tilespmem:v3+s3+$0x0], $0xffff  }
0x37: {  	v4 =	vld.idx.msk [tilespmem:v3+s17+$0x0], $0xffff  }
0x38: {  	v3 =	vld.idx.msk [tilespmem:v3+s18+$0x0], $0xffff;
	_ =	sdelay $0x2  }
0x39: {  	[tilespmem:v6+s19+$0x0] =	vst.idx.msk $0x1, v5  }
0x3a: {  	[tilespmem:v6+s20+$0x0] =	vst.idx.msk $0x1, v4  }
0x3b: {  	s0 =	simm.s32 $0x1080;
	[tilespmem:v6+s21+$0x0] =	vst.idx.msk $0x1, v3  }
0x3c: {  	s6 =	simm.s32 $0x80;
	v6 =	vld [tilespmem:s0+$0x40]  }
0x3d: {  	s7 =	simm.s32 $0x2080;
	v7 =	vld [tilespmem:s6+$0x40]  }
0x3e: {  	v8 =	vld [tilespmem:s7+$0x40]  }
0x3f: {  	v10 =	vld [tilespmem:s6+$0xFFFFFF80]  }
0x40: {  	v9 =	vld [tilespmem:s0+$0xFFFFFF80];
	_ =	sdelay $0x2  }
0x41: {  	v6 =	vsub.f32 v6, v4;
	v7 =	vsub.f32 v7, v5  }
0x42: {  	v8 =	vsub.f32 v8, v3;
	v10 =	vsub.f32 v10, v5  }
0x43: {  	s28 =	simm.s32 $0x3080;
	v12 =	vld [tilespmem:s0+$0xFFFFFFC0];
	v9 =	vsub.f32 v9, v4;
	v7 =	vmul.f32 v7, v7;
	v6 =	vmul.f32 v6, v6  }
0x44: {  	v11 =	vld [tilespmem:s28+$0x40];
	v10 =	vmul.f32 v10, v10  }
0x45: {  	v9 =	vmul.f32 v9, v9;
	v6 =	vadd.f32 v6, v7;
	v7 =	vmul.f32 v8, v8;
	v8 =	vld [tilespmem:s7+$0xFFFFFF80];
	_ =	sdelay $0x1  }
0x46: {  	v13 =	vld [tilespmem:s6+$0x0];
	v9 =	vadd.f32 v9, v10  }
0x47: {  	v10 =	vsub.f32 v12, v4;
	v12 =	vld [tilespmem:s0+$0x0];
	v6 =	vadd.f32 v7, v6  }
0x48: {  	v7 =	vld [tilespmem:s6+$0xFFFFFFC0]  }
0x49: {  	v14 =	vld [tilespmem:s28+$0xFFFFFF80];
	v11 =	vmin.f32 v11, v6;
	v8 =	vsub.f32 v8, v3  }
0x4a: {  	v6 =	vld [tilespmem:s7+$0xFFFFFFC0];
	[tilespmem:s28+$0x40] =	vst v11  }
0x4b: {  	v13 =	vsub.f32 v13, v5;
	v15 =	vld [tilespmem:s0+$0x50];
	v8 =	vmul.f32 v8, v8  }
0x4c: {  	v12 =	vsub.f32 v12, v4;
	v16 =	vld [tilespmem:s6+$0x50]  }
0x4d: {  	v13 =	vmul.f32 v13, v13;
	v17 =	vld [tilespmem:s7+$0x50];
	v7 =	vsub.f32 v7, v5;
	v8 =	vadd.f32 v8, v9  }
0x4e: {  	v10 =	vmul.f32 v10, v10;
	v12 =	vmul.f32 v12, v12;
	v9 =	vld [tilespmem:s7+$0x0]  }
0x4f: {  	v6 =	vsub.f32 v6, v3;
	v7 =	vmul.f32 v7, v7;
	v8 =	vmin.f32 v14, v8  }
0x50: {  	v18 =	vld [tilespmem:s28+$0xFFFFFFC0];
	v12 =	vadd.f32 v12, v13;
	[tilespmem:s28+$0xFFFFFF80] =	vst v8  }
0x51: {  	v10 =	vadd.f32 v10, v7;
	v6 =	vmul.f32 v6, v6;
	v15 =	vsub.f32 v15, v4;
	v19 =	vld [tilespmem:s6+$0xFFFFFF90]  }
0x52: {  	v14 =	vimm.f32 $-1.000000000e+00;
	v16 =	vsub.f32 v16, v5;
	v17 =	vsub.f32 v17, v3;
	v20 =	vld [tilespmem:s0+$0xFFFFFF90]  }
0x53: {  	v7 =	vimm.s32 $0x0;
	v10 =	vadd.f32 v6, v10;
	v21 =	vld [tilespmem:s7+$0xFFFFFF90];
	v9 =	vsub.f32 v9, v3  }
0x54: {  	v22 =	vld [tilespmem:s28+$0x0];
	vm0 =	vgt.f32 v8, v14;
	v15 =	vmul.f32 v15, v15;
	v16 =	vmul.f32 v16, v16  }
0x55: {  	v8 =	vsel vm0, v8, v14;
	v10 =	vmin.f32 v18, v10;
	v9 =	vmul.f32 v9, v9  }
0x56: {  	v17 =	vmul.f32 v17, v17;
	v13 =	vadd.f32 v15, v16;
	v15 =	vld [tilespmem:s28+$0x50];
	[tilespmem:s28+$0xFFFFFFC0] =	vst v10;
	vm1 =	vgt.f32 v10, v8  }
0x57: {  	s1 =	simm.s32 $0x0;
	v18 =	vld [tilespmem:s6+$0xFFFFFFD0];
	v8 =	vsel vm1, v10, v8;
	v16 =	vsub.f32 v19, v5;
	v9 =	vadd.f32 v9, v12  }
0x58: {  	v10 =	vor.u32 s1, v1;
	v12 =	vsub.f32 v20, v4;
	v19 =	vsub.f32 v21, v3;
	v20 =	vld [tilespmem:s0+$0xFFFFFFD0]  }
0x59: {  	v13 =	vadd.f32 v17, v13;
	v17 =	vld [tilespmem:s28+$0xFFFFFF90];
	v16 =	vmul.f32 v16, v16;
	v9 =	vmin.f32 v22, v9  }
0x5a: {  	s10 =	simm.s32 $0x40;
	v21 =	vld [tilespmem:s7+$0xFFFFFFD0];
	v10 =	vsel vm0, v10, v7;
	v12 =	vmul.f32 v12, v12;
	v19 =	vmul.f32 v19, v19;
	[tilespmem:s28+$0x0] =	vst v9  }
0x5b: {  	v13 =	vmin.f32 v15, v13;
	v15 =	vor.u32 s10, v1;
	vm0 =	vgt.f32 v9, v8;
	v22 =	vld [tilespmem:s6+$0x10]  }
0x5c: {  	[tilespmem:s28+$0x50] =	vst v13;
	v12 =	vadd.f32 v12, v16;
	v16 =	vsub.f32 v18, v5;
	v18 =	vld [tilespmem:s0+$0x10];
	v8 =	vsel vm0, v9, v8  }
0x5d: {  	s12 =	simm.s32 $0x80;
	v9 =	vsel vm1, v15, v10;
	v15 =	vld [tilespmem:s6+$0x60];
	v20 =	vsub.f32 v20, v4;
	vm1 =	vgt.f32 v11, v8  }
0x5e: {  	v12 =	vadd.f32 v19, v12;
	v10 =	vmul.f32 v16, v16;
	v16 =	vor.u32 s12, v1  }
0x5f: {  	v19 =	vld [tilespmem:s7+$0x10];
	v8 =	vsel vm1, v11, v8;
	v9 =	vsel vm0, v16, v9  }
0x60: {  	v16 =	vld [tilespmem:s0+$0x60];
	v12 =	vmin.f32 v17, v12;
	v17 =	vmul.f32 v20, v20;
	v20 =	vsub.f32 v21, v3  }
0x61: {  	v23 =	vld [tilespmem:s28+$0xFFFFFFD0];
	[tilespmem:s28+$0xFFFFFF90] =	vst v12;
	v11 =	vsub.f32 v22, v5;
	v18 =	vsub.f32 v18, v4;
	vm0 =	vgt.f32 v12, v14  }
0x62: {  	s8 =	simm.s32 $0xC0;
	v15 =	vsub.f32 v15, v5;
	v21 =	vld [tilespmem:s6+$0xFFFFFFA0];
	v10 =	vadd.f32 v17, v10;
	v17 =	vmul.f32 v20, v20  }
0x63: {  	v22 =	vor.u32 s8, v1;
	v20 =	vld [tilespmem:s0+$0xFFFFFFA0];
	v12 =	vsel vm0, v12, v14;
	v11 =	vmul.f32 v11, v11  }
0x64: {  	s9 =	simm.s32 $0x10;
	v24 =	vld [tilespmem:s7+$0xFFFFFFA0];
	v18 =	vmul.f32 v18, v18;
	v19 =	vsub.f32 v19, v3;
	v10 =	vadd.f32 v17, v10  }
0x65: {  	v9 =	vsel vm1, v22, v9;
	v22 =	vor.u32 s9, v1;
	v17 =	vld [tilespmem:s28+$0x10];
	v16 =	vsub.f32 v16, v4  }
0x66: {  	v11 =	vadd.f32 v18, v11;
	v18 =	vmul.f32 v19, v19;
	v10 =	vmin.f32 v23, v10  }
0x67: {  	v15 =	vmul.f32 v15, v15;
	v19 =	vld [tilespmem:s7+$0x60];
	v16 =	vmul.f32 v16, v16;
	v21 =	vsub.f32 v21, v5;
	[tilespmem:s28+$0xFFFFFFD0] =	vst v10  }
0x68: {  	v22 =	vsel vm0, v22, v7;
	v20 =	vsub.f32 v20, v4;
	v11 =	vadd.f32 v18, v11;
	v18 =	vld [tilespmem:s6+$0xFFFFFFE0]  }
0x69: {  	v23 =	vsub.f32 v24, v3;
	vm0 =	vgt.f32 v10, v12;
	v24 =	vld [tilespmem:s0+$0xFFFFFFE0];
	v15 =	vadd.f32 v16, v15  }
0x6a: {  	s12 =	simm.s32 $0x90;
	v16 =	vld [tilespmem:s7+$0xFFFFFFE0];
	v21 =	vmul.f32 v21, v21;
	v20 =	vmul.f32 v20, v20;
	v11 =	vmin.f32 v17, v11  }
0x6b: {  	s10 =	simm.s32 $0x50;
	v25 =	vor.u32 s12, v1;
	v10 =	vsel vm0, v10, v12;
	v17 =	vld [tilespmem:s28+$0xFFFFFFA0];
	[tilespmem:s28+$0x10] =	vst v11  }
0x6c: {  	v12 =	vor.u32 s10, v1;
	v20 =	vadd.f32 v20, v21;
	v21 =	vmul.f32 v23, v23;
	v23 =	vld [tilespmem:s0+$0x20]  }
0x6d: {  	v12 =	vsel vm0, v12, v22;
	v19 =	vsub.f32 v19, v3;
	vm0 =	vgt.f32 v11, v10;
	v22 =	vld [tilespmem:s6+$0x20]  }
0x6e: {  	v12 =	vsel vm0, v25, v12;
	v20 =	vadd.f32 v21, v20  }
0x6f: {  	v19 =	vmul.f32 v19, v19;
	v18 =	vsub.f32 v18, v5;
	v21 =	vsub.f32 v24, v4;
	v24 =	vld [tilespmem:s7+$0x20]  }
0x70: {  	v10 =	vsel vm0, v11, v10;
	v16 =	vsub.f32 v16, v3;
	v17 =	vmin.f32 v17, v20  }
0x71: {  	s8 =	simm.s32 $0x20;
	v15 =	vadd.f32 v19, v15;
	v19 =	vld [tilespmem:s28+$0xFFFFFFE0];
	v18 =	vmul.f32 v18, v18;
	v20 =	vmul.f32 v21, v21;
	[tilespmem:s28+$0xFFFFFFA0] =	vst v17  }
0x72: {  	v25 =	vor.u32 s8, v1;
	v21 =	vsub.f32 v23, v4;
	v22 =	vsub.f32 v22, v5;
	v11 =	vld [tilespmem:s0+$0xFFFFFFB0]  }
0x73: {  	vm0 =	vgt.f32 v13, v10;
	v16 =	vmul.f32 v16, v16;
	v23 =	vld [tilespmem:s6+$0xFFFFFFB0];
	v18 =	vadd.f32 v20, v18  }
0x74: {  	v20 =	vsub.f32 v24, v3;
	v24 =	vld [tilespmem:s7+$0xFFFFFFB0];
	v21 =	vmul.f32 v21, v21;
	v22 =	vmul.f32 v22, v22  }
0x75: {  	v26 =	vld [tilespmem:s28+$0x20];
	v10 =	vsel vm0, v13, v10;
	vm1 =	vgt.f32 v17, v14;
	v16 =	vadd.f32 v16, v18  }
0x76: {  	v17 =	vsel vm1, v17, v14;
	v18 =	vld [tilespmem:s28+$0x60];
	v13 =	vadd.f32 v21, v22;
	v20 =	vmul.f32 v20, v20  }
0x77: {  	v25 =	vsel vm1, v25, v7;
	v16 =	vmin.f32 v19, v16;
	v11 =	vsub.f32 v11, v4  }
0x78: {  	v6 =	vld [tilespmem:s28+$0xFFFFFFF0];
	v21 =	vsub.f32 v23, v5;
	v13 =	vadd.f32 v20, v13;
	vm1 =	vgt.f32 v16, v17  }
0x79: {  	v20 =	vld [tilespmem:s28+$0xFFFFFFB0];
	[tilespmem:s28+$0xFFFFFFE0] =	vst v16;
	v19 =	vsub.f32 v24, v3;
	v16 =	vsel vm1, v16, v17  }
0x7a: {  	s12 =	simm.s32 $0xA0;
	s9 =	simm.s32 $0x60;
	v22 =	vld [tilespmem:s6+$0xFFFFFFF0];
	v11 =	vmul.f32 v11, v11;
	v21 =	vmul.f32 v21, v21;
	v23 =	vmin.f32 v26, v13  }
0x7b: {  	v24 =	vld [tilespmem:s0+$0xFFFFFFF0];
	v13 =	vor.u32 s9, v1;
	v15 =	vmin.f32 v18, v15;
	v26 =	vor.u32 s12, v1  }
0x7c: {  	s10 =	simm.s32 $0xD0;
	vm2 =	vgt.f32 v23, v16;
	v18 =	vmul.f32 v19, v19;
	v19 =	vld [tilespmem:s7+$0xFFFFFFF0];
	[tilespmem:s28+$0x60] =	vst v15;
	v11 =	vadd.f32 v11, v21  }
0x7d: {  	v25 =	vsel vm1, v13, v25;
	v21 =	vor.u32 s10, v1;
	v16 =	vsel vm2, v23, v16;
	v17 =	vld [tilespmem:s0+$0x70]  }
0x7e: {  	s8 =	simm.s32 $0xE0;
	v27 =	vld [tilespmem:s6+$0x70];
	vm1 =	vgt.f32 v15, v16;
	v13 =	vsel vm0, v21, v12;
	v18 =	vadd.f32 v18, v11  }
0x7f: {  	[tilespmem:s28+$0x20] =	vst v23;
	v12 =	vsel vm2, v26, v25;
	v21 =	vor.u32 s8, v1;
	v11 =	vsel vm1, v15, v16;
	v16 =	vld [tilespmem:s7+$0x70]  }
0x80: {  	s31 =	simm.s32 $0x70;
	v15 =	vsub.f32 v22, v5;
	v24 =	vsub.f32 v24, v4;
	v23 =	vmin.f32 v20, v18;
	v18 =	vld [tilespmem:s6+$0x30]  }
0x81: {  	s30 =	simm.s32 $0xB0;
	s29 =	simm.s32 $0x3080;
	s1 =	simm.s32 $0xF0;
	v12 =	vsel vm1, v21, v12;
	v25 =	vsub.f32 v19, v3;
	v20 =	vld [tilespmem:s0+$0x30]  }
0x82: {  	s9 =	simm.s32 $0x180;
	s10 =	simm.s32 $0x30;
	s8 =	simm.s32 $0x1180;
	v22 =	vmul.f32 v15, v15;
	v19 =	vld [tilespmem:s7+$0x30];
	v24 =	vmul.f32 v24, v24;
	vm0 =	vgt.f32 v23, v14  }
0x83: {  	s6 =	simm.s32 $0x0;
	s7 =	simm.s32 $0x2180;
	v15 =	vld [tilespmem:s28+$0x70];
	s0 =	simm.s32 $0xF0;
	[tilespmem:s28+$0xFFFFFFB0] =	vst v23;
	v14 =	vsel vm0, v23, v14;
	v21 =	vmul.f32 v25, v25;
	v23 =	vsub.f32 v27, v5  }
.LBB2_6:
0x84: {  	v25 =	vld [tilespmem:s9+$0x0];
	s6 =	sadd.s32 $0x4, s6;
	v26 =	vor.u32 s10, v1;
	v22 =	vadd.f32 v24, v22;
	v17 =	vsub.f32 v17, v4;
	s1 =	sadd.s32 $0x100, s1;
	s28 =	sadd.s32 $0x100, s28  }
0x85: {  	s10 =	sadd.s32 $0xFFFFFF80, s1;
	s12 =	sadd.s32 $0xFFFFFFC0, s1;
	v24 =	vld [tilespmem:s8+$0x40];
	p0 =	slt.u32 s6, $0x3C;
	v7 =	vsel vm0, v26, v7;
	v18 =	vsub.f32 v18, v5;
	v23 =	vmul.f32 v23, v23  }
0x86: {  	v27 =	vor.u32 s31, v1;
	v16 =	vsub.f32 v16, v3;
	v26 =	vld [tilespmem:s9+$0x40];
	v20 =	vsub.f32 v20, v4;
	s31 =	smov.u32 s10  }
0x87: {  	v21 =	vadd.f32 v21, v22;
	v17 =	vmul.f32 v17, v17;
	v28 =	vld [tilespmem:s28+$0xFFFFFFF0];
	v18 =	vmul.f32 v18, v18  }
0x88: {  	v16 =	vmul.f32 v16, v16;
	v19 =	vsub.f32 v19, v3;
	v22 =	vld [tilespmem:s7+$0x40];
	v20 =	vmul.f32 v20, v20  }
0x89: {  	v6 =	vmin.f32 v6, v21;
	v17 =	vadd.f32 v17, v23;
	v25 =	vsub.f32 v25, v5;
	v21 =	vld [tilespmem:s29+$0x30]  }
0x8a: {  	vm0 =	vgt.f32 v6, v14;
	v19 =	vmul.f32 v19, v19;
	v23 =	vsub.f32 v24, v4;
	[tilespmem:s29+$0xFFFFFFF0] =	vst v6  }
0x8b: {  	v14 =	vsel vm0, v6, v14;
	v16 =	vadd.f32 v16, v17;
	v24 =	vsub.f32 v26, v5  }
0x8c: {  	v7 =	vsel vm0, v27, v7;
	v17 =	vadd.f32 v20, v18;
	v6 =	vmov v28  }
0x8d: {  	v20 =	vmul.f32 v23, v23;
	v15 =	vmin.f32 v15, v16;
	v18 =	vmul.f32 v24, v24  }
0x8e: {  	v17 =	vadd.f32 v19, v17;
	v16 =	vsub.f32 v22, v3;
	v22 =	vld [tilespmem:s28+$0x40];
	[tilespmem:s29+$0x70] =	vst v15  }
0x8f: {  	v19 =	vld [tilespmem:s8+$0xFFFFFF80];
	v18 =	vadd.f32 v20, v18  }
0x90: {  	v17 =	vmin.f32 v21, v17;
	v21 =	vor.u32 s30, v1;
	s30 =	smov.u32 s12;
	v16 =	vmul.f32 v16, v16;
	v20 =	vld [tilespmem:s9+$0xFFFFFF80]  }
0x91: {  	vm0 =	vgt.f32 v17, v14;
	[tilespmem:s29+$0x30] =	vst v17;
	s29 =	smov.u32 s28  }
0x92: {  	v14 =	vsel vm0, v17, v14;
	v7 =	vsel vm0, v21, v7;
	v16 =	vadd.f32 v16, v18;
	v23 =	vld [tilespmem:s7+$0xFFFFFF80]  }
0x93: {  	vm0 =	vgt.f32 v15, v14;
	v18 =	vor.u32 s0, v1;
	s0 =	smov.u32 s1;
	v17 =	vld [tilespmem:s9+$0xFFFFFFC0]  }
0x94: {  	v14 =	vsel vm0, v15, v14;
	v16 =	vmin.f32 v22, v16;
	v19 =	vsub.f32 v19, v4;
	v21 =	vld [tilespmem:s8+$0xFFFFFFC0]  }
0x95: {  	v7 =	vsel vm0, v18, v7;
	v15 =	vsub.f32 v20, v5;
	v20 =	vld [tilespmem:s7+$0xFFFFFFC0];
	[tilespmem:s28+$0x40] =	vst v16  }
0x96: {  	v18 =	vld [tilespmem:s8+$0x50]  }
0x97: {  	v19 =	vmul.f32 v19, v19;
	v22 =	vsub.f32 v23, v3;
	v15 =	vmul.f32 v15, v15;
	v23 =	vld [tilespmem:s9+$0x50]  }
0x98: {  	v24 =	vld [tilespmem:s28+$0xFFFFFF80]  }
0x99: {  	v15 =	vadd.f32 v19, v15;
	v19 =	vmul.f32 v22, v22;
	v21 =	vsub.f32 v21, v4  }
0x9a: {  	v17 =	vsub.f32 v17, v5;
	v22 =	vld [tilespmem:s8+$0x0]  }
0x9b: {  	v15 =	vadd.f32 v19, v15;
	v19 =	vld [tilespmem:s7+$0x0];
	v18 =	vsub.f32 v18, v4  }
0x9c: {  	v20 =	vsub.f32 v20, v3;
	v17 =	vmul.f32 v17, v17;
	v21 =	vmul.f32 v21, v21;
	v26 =	vld [tilespmem:s7+$0x50]  }
0x9d: {  	v23 =	vsub.f32 v23, v5;
	v15 =	vmin.f32 v24, v15;
	v24 =	vld [tilespmem:s28+$0xFFFFFFC0];
	v18 =	vmul.f32 v18, v18  }
0x9e: {  	v20 =	vmul.f32 v20, v20;
	v17 =	vadd.f32 v21, v17;
	[tilespmem:s28+$0xFFFFFF80] =	vst v15;
	vm0 =	vgt.f32 v15, v8  }
0x9f: {  	v8 =	vsel vm0, v15, v8;
	v15 =	vld [tilespmem:s7+$0xFFFFFF90];
	v21 =	vsub.f32 v22, v4;
	v22 =	vmul.f32 v23, v23  }
0xa0: {  	v17 =	vadd.f32 v20, v17;
	v23 =	vld [tilespmem:s9+$0xFFFFFF90];
	v19 =	vsub.f32 v19, v3  }
0xa1: {  	v25 =	vmul.f32 v25, v25;
	v20 =	vld [tilespmem:s8+$0xFFFFFF90];
	v21 =	vmul.f32 v21, v21;
	v26 =	vsub.f32 v26, v3  }
0xa2: {  	v18 =	vadd.f32 v18, v22;
	v17 =	vmin.f32 v24, v17;
	v24 =	vld [tilespmem:s28+$0x0]  }
0xa3: {  	v19 =	vmul.f32 v19, v19;
	[tilespmem:s28+$0xFFFFFFC0] =	vst v17;
	v21 =	vadd.f32 v21, v25;
	v22 =	vmul.f32 v26, v26;
	v25 =	vld [tilespmem:s28+$0x50]  }
0xa4: {  	vm1 =	vgt.f32 v17, v8;
	v15 =	vsub.f32 v15, v3;
	v26 =	vld [tilespmem:s9+$0xFFFFFFD0]  }
0xa5: {  	s10 =	sadd.s32 $0xFFFFFF10, s1;
	v8 =	vsel vm1, v17, v8;
	v23 =	vsub.f32 v23, v5;
	v17 =	vld [tilespmem:s8+$0xFFFFFFD0];
	v19 =	vadd.f32 v19, v21  }
0xa6: {  	v21 =	vor.u32 s10, v1;
	v18 =	vadd.f32 v22, v18;
	v20 =	vsub.f32 v20, v4;
	v27 =	vld [tilespmem:s28+$0xFFFFFFD0]  }
0xa7: {  	s10 =	sadd.s32 $0xFFFFFF50, s1;
	v9 =	vsel vm0, v21, v9;
	v21 =	vmul.f32 v23, v23;
	v22 =	vld [tilespmem:s7+$0xFFFFFFD0];
	v19 =	vmin.f32 v24, v19  }
0xa8: {  	v23 =	vmul.f32 v15, v15;
	v20 =	vmul.f32 v20, v20;
	v24 =	vld [tilespmem:s28+$0xFFFFFF90];
	[tilespmem:s28+$0x0] =	vst v19;
	v15 =	vmin.f32 v25, v18  }
0xa9: {  	v18 =	vor.u32 s10, v1;
	vm2 =	vgt.f32 v19, v8;
	v25 =	vsub.f32 v26, v5;
	v26 =	vld [tilespmem:s9+$0x10];
	[tilespmem:s28+$0x50] =	vst v15  }
0xaa: {  	v8 =	vsel vm2, v19, v8;
	v20 =	vadd.f32 v20, v21;
	v17 =	vsub.f32 v17, v4;
	v19 =	vld [tilespmem:s8+$0x10]  }
0xab: {  	s10 =	sadd.s32 $0xFFFFFF90, s1;
	v9 =	vsel vm1, v18, v9;
	vm0 =	vgt.f32 v16, v8;
	v18 =	vmul.f32 v25, v25;
	v21 =	vld [tilespmem:s9+$0x60]  }
0xac: {  	v20 =	vadd.f32 v23, v20;
	v17 =	vmul.f32 v17, v17;
	v23 =	vor.u32 s10, v1;
	v25 =	vld [tilespmem:s7+$0x10]  }
0xad: {  	v8 =	vsel vm0, v16, v8;
	v22 =	vsub.f32 v22, v3;
	v9 =	vsel vm2, v23, v9;
	v16 =	vld [tilespmem:s8+$0x60]  }
0xae: {  	s10 =	sadd.s32 $0xFFFFFFD0, s1;
	v20 =	vmin.f32 v24, v20;
	v17 =	vadd.f32 v17, v18;
	v18 =	vld [tilespmem:s28+$0x10]  }
0xaf: {  	v23 =	vsub.f32 v26, v5;
	[tilespmem:s28+$0xFFFFFF90] =	vst v20;
	vm1 =	vgt.f32 v20, v10;
	v19 =	vsub.f32 v19, v4;
	v24 =	vld [tilespmem:s7+$0x60]  }
0xb0: {  	v28 =	vor.u32 s10, v1;
	v22 =	vmul.f32 v22, v22;
	v26 =	vld [tilespmem:s9+$0xFFFFFFA0];
	v21 =	vsub.f32 v21, v5  }
0xb1: {  	v23 =	vmul.f32 v23, v23;
	v29 =	vld [tilespmem:s8+$0xFFFFFFA0];
	v25 =	vsub.f32 v25, v3;
	v19 =	vmul.f32 v19, v19  }
0xb2: {  	v10 =	vsel vm1, v20, v10;
	v17 =	vadd.f32 v22, v17;
	v20 =	vld [tilespmem:s7+$0xFFFFFFA0];
	v16 =	vsub.f32 v16, v4  }
0xb3: {  	s10 =	sadd.s32 $0xFFFFFF20, s1;
	v9 =	vsel vm0, v28, v9;
	v19 =	vadd.f32 v19, v23;
	v22 =	vmul.f32 v25, v25  }
0xb4: {  	v17 =	vmin.f32 v27, v17;
	v21 =	vmul.f32 v21, v21;
	v16 =	vmul.f32 v16, v16  }
0xb5: {  	v23 =	vor.u32 s10, v1;
	v25 =	vsub.f32 v26, v5;
	[tilespmem:s28+$0xFFFFFFD0] =	vst v17;
	v19 =	vadd.f32 v22, v19  }
0xb6: {  	vm0 =	vgt.f32 v17, v10;
	v13 =	vsel vm1, v23, v13;
	v22 =	vsub.f32 v29, v4;
	v23 =	vld [tilespmem:s9+$0xFFFFFFE0]  }
0xb7: {  	v16 =	vadd.f32 v16, v21;
	v20 =	vsub.f32 v20, v3;
	v25 =	vmul.f32 v25, v25;
	v26 =	vld [tilespmem:s8+$0xFFFFFFE0]  }
0xb8: {  	s10 =	sadd.s32 $0xFFFFFF60, s1;
	v10 =	vsel vm0, v17, v10;
	v18 =	vmin.f32 v18, v19;
	v21 =	vmul.f32 v22, v22;
	v17 =	vld [tilespmem:s7+$0xFFFFFFE0]  }
0xb9: {  	v24 =	vsub.f32 v24, v3;
	v22 =	vor.u32 s10, v1;
	v19 =	vld [tilespmem:s28+$0xFFFFFFA0];
	[tilespmem:s28+$0x10] =	vst v18  }
0xba: {  	s10 =	sadd.s32 $0xFFFFFFA0, s1;
	v20 =	vmul.f32 v20, v20;
	v13 =	vsel vm0, v22, v13;
	v21 =	vadd.f32 v21, v25;
	v22 =	vld [tilespmem:s8+$0x20]  }
0xbb: {  	v24 =	vmul.f32 v24, v24;
	vm0 =	vgt.f32 v18, v10;
	v23 =	vsub.f32 v23, v5;
	v25 =	vld [tilespmem:s9+$0x20]  }
0xbc: {  	v20 =	vadd.f32 v20, v21;
	v21 =	vsub.f32 v26, v4;
	v26 =	vor.u32 s10, v1;
	v27 =	vld [tilespmem:s7+$0x20]  }
0xbd: {  	v16 =	vadd.f32 v24, v16;
	v23 =	vmul.f32 v23, v23;
	v13 =	vsel vm0, v26, v13  }
0xbe: {  	v17 =	vsub.f32 v17, v3;
	v19 =	vmin.f32 v19, v20;
	v20 =	vmul.f32 v21, v21  }
0xbf: {  	v10 =	vsel vm0, v18, v10;
	[tilespmem:s28+$0xFFFFFFA0] =	vst v19;
	vm1 =	vgt.f32 v19, v11;
	v21 =	vld [tilespmem:s28+$0xFFFFFFE0];
	v18 =	vsub.f32 v22, v4  }
0xc0: {  	v17 =	vmul.f32 v17, v17;
	v11 =	vsel vm1, v19, v11;
	v19 =	vld [tilespmem:s8+$0xFFFFFFB0];
	v22 =	vsub.f32 v25, v5  }
0xc1: {  	s12 =	sadd.s32 $0xFFFFFFE0, s1;
	s10 =	sadd.s32 $0xFFFFFF30, s1;
	v20 =	vadd.f32 v20, v23;
	v24 =	vld [tilespmem:s9+$0xFFFFFFB0];
	v23 =	vsub.f32 v27, v3;
	v18 =	vmul.f32 v18, v18  }
0xc2: {  	vm0 =	vgt.f32 v15, v10;
	v25 =	vor.u32 s10, v1;
	v26 =	vld [tilespmem:s7+$0xFFFFFFB0];
	v22 =	vmul.f32 v22, v22  }
0xc3: {  	v10 =	vsel vm0, v15, v10;
	v15 =	vor.u32 s12, v1;
	v12 =	vsel vm1, v25, v12;
	v25 =	vld [tilespmem:s28+$0x20]  }
0xc4: {  	v17 =	vadd.f32 v17, v20;
	v20 =	vmul.f32 v23, v23;
	v18 =	vadd.f32 v18, v22;
	v22 =	vld [tilespmem:s28+$0x60]  }
0xc5: {  	v13 =	vsel vm0, v15, v13;
	v19 =	vsub.f32 v19, v4  }
0xc6: {  	v17 =	vmin.f32 v21, v17;
	v15 =	vsub.f32 v24, v5;
	v18 =	vadd.f32 v20, v18  }
0xc7: {  	s10 =	sadd.s32 $0xFFFFFF70, s1;
	vm0 =	vgt.f32 v17, v11;
	v20 =	vsub.f32 v26, v3;
	v19 =	vmul.f32 v19, v19;
	v21 =	vld [tilespmem:s28+$0xFFFFFFB0];
	[tilespmem:s28+$0xFFFFFFE0] =	vst v17  }
0xc8: {  	v11 =	vsel vm0, v17, v11;
	v15 =	vmul.f32 v15, v15;
	v23 =	vld [tilespmem:s9+$0xFFFFFFF0];
	v17 =	vmin.f32 v25, v18  }
0xc9: {  	v18 =	vor.u32 s10, v1;
	v24 =	vld [tilespmem:s8+$0xFFFFFFF0];
	[tilespmem:s28+$0x20] =	vst v17;
	vm1 =	vgt.f32 v17, v11;
	v16 =	vmin.f32 v22, v16  }
0xca: {  	s10 =	sadd.s32 $0xFFFFFFB0, s1;
	v15 =	vadd.f32 v19, v15;
	v19 =	vmul.f32 v20, v20;
	v20 =	vld [tilespmem:s7+$0xFFFFFFF0];
	v11 =	vsel vm1, v17, v11;
	[tilespmem:s28+$0x60] =	vst v16  }
0xcb: {  	v12 =	vsel vm0, v18, v12;
	v18 =	vor.u32 s10, v1;
	s10 =	sadd.s32 $0xFFFFFFF0, s1;
	vm0 =	vgt.f32 v16, v11;
	v17 =	vld [tilespmem:s8+$0x70]  }
0xcc: {  	v12 =	vsel vm1, v18, v12;
	v15 =	vadd.f32 v19, v15;
	v11 =	vsel vm0, v16, v11;
	v25 =	vld [tilespmem:s9+$0x70]  }
.Ltmp2:
0xcd: {  	v22 =	vor.u32 s10, v1;
	v19 =	vsub.f32 v23, v5;
	v16 =	vld [tilespmem:s7+$0x70];
	(pc) =	sbr.rel @p0 .LBB2_6-.Ltmp2, $4  }
0xce: {  	v12 =	vsel vm0, v22, v12;
	v15 =	vmin.f32 v21, v15;
	v21 =	vsub.f32 v24, v4;
	v18 =	vld [tilespmem:s9+$0x30]  }
0xcf: {  	[tilespmem:s28+$0xFFFFFFB0] =	vst v15;
	vm0 =	vgt.f32 v15, v14;
	v23 =	vsub.f32 v20, v3;
	v22 =	vmul.f32 v19, v19;
	v20 =	vld [tilespmem:s8+$0x30]  }
0xd0: {  	v14 =	vsel vm0, v15, v14;
	v24 =	vmul.f32 v21, v21;
	v19 =	vld [tilespmem:s7+$0x30];
	s7 =	sadd.s32 $0x100, s7  }
0xd1: {  	s10 =	sadd.s32 $0xFFFFFF40, s1;
	s9 =	sadd.s32 $0x100, s9;
	s8 =	sadd.s32 $0x100, s8;
	v21 =	vmul.f32 v23, v23;
	v23 =	vsub.f32 v25, v5;
	v15 =	vld [tilespmem:s28+$0x70]  }
0xd2: {  	_ =	sdelay $0x1  }
0xd3: {  	v5 =	vsub.f32 v18, v5;
	v47 =	vsub.f32 v20, v4  }
0xd4: {  	v48 =	vadd.f32 v24, v22;
	v49 =	vsub.f32 v17, v4  }
0xd5: {  	v5 =	vmul.f32 v5, v5;
	v50 =	vsub.f32 v19, v3;
	v18 =	vmul.f32 v47, v47  }
0xd6: {  	v53 =	vld [tilespmem:s29+$0x30];
	v51 =	vmul.f32 v23, v23;
	v52 =	vadd.f32 v21, v48;
	v4 =	vmul.f32 v49, v49  }
0xd7: {  	v3 =	vsub.f32 v16, v3;
	v17 =	vmul.f32 v50, v50;
	v5 =	vadd.f32 v18, v5  }
0xd8: {  	v54 =	vor.u32 s10, v1;
	v55 =	vor.u32 s31, v1;
	v6 =	vmin.f32 v6, v52  }
0xd9: {  	v4 =	vadd.f32 v4, v51;
	v3 =	vmul.f32 v3, v3;
	v5 =	vadd.f32 v17, v5  }
0xda: {  	v58 =	vor.u32 s30, v1;
	v59 =	vor.u32 s0, v1;
	vm6 =	vgt.f32 v6, v14  }
0xdb: {  	v14 =	vsel vm6, v6, v14;
	v3 =	vadd.f32 v3, v4;
	v56 =	vmin.f32 v53, v5  }
0xdc: {  	vm9 =	vgt.f32 v10, v8;
	v7 =	vsel vm0, v54, v7;
	vm7 =	vgt.f32 v56, v14  }
0xdd: {  	v57 =	vsel vm6, v55, v7;
	v3 =	vmin.f32 v15, v3;
	v14 =	vsel vm7, v56, v14  }
0xde: {  	vm1 =	veq.f32 v10, v8;
	v5 =	vsel vm7, v58, v57;
	vm8 =	vgt.f32 v3, v14  }
0xdf: {  	vm2 =	vlt.s32 v13, v9;
	v14 =	vsel vm8, v3, v14;
	v5 =	vsel vm8, v59, v5  }
0xe0: {  	vm1 =	vmand vm1, vm2;
	vm10 =	veq.f32 v14, v11;
	vm3 =	vlt.s32 v5, v12  }
0xe1: {  	vm0 =	vmor vm9, vm1;
	vm12 =	vgt.f32 v14, v11;
	vm11 =	vmand vm10, vm3  }
0xe2: {  	v60 =	vsel vm0, v10, v8;
	vm1 =	vmor vm12, vm11  }
0xe3: {  	v61 =	vsel vm0, v13, v9;
	v62 =	vsel vm1, v14, v11;
	v5 =	vsel vm1, v5, v12  }
0xe4: {  	vm13 =	veq.f32 v62, v60;
	vm1 =	vlt.s32 v5, v61  }
0xe5: {  	vm14 =	vgt.f32 v62, v60;
	vm0 =	vmand vm13, vm1  }
0xe6: {  	vm0 =	vmor vm14, vm0  }
0xe7: {  	v7 =	vsel vm0, v62, v60  }
0xe8: {  	(xrf0) =	vmax.scan.msk.f32 $0xffff, v7;
	_ =	sdelay $0x5  }
0xe9: {  	v63, _, _ =	vpop (xrf0)  }
0xea: {  	v9 =	vbroadcast v63, $0xF  }
0xeb: {  	v5 =	vsel vm0, v5, v61  }
0xec: {  	v5 =	vxor.u32 $0x80000000, v5;
	vm15 =	veq.f32 v7, v9  }
0xed: {  	v5 =	vnsel vm15, $0xC0000000, v5  }
0xee: {  	(xrf0) =	vmin.scan.msk.u32 $0xffff, v5;
	_ =	sdelay $0x5  }
0xef: {  	v5, _, _ =	vpop (xrf0)  }
0xf0: {  	(v2sf) =	vpush v5, $0xF;
	_ =	sdelay $0x9  }
0xf1: {  	s26 =	sadd.s32 $0x1, s26  }
0xf2: {  	p0 =	sne.s32 s26, $0x400  }
.Ltmp3:
0xf3: {  	_ = 	snop;
	(pc) =	sbr.rel @p0 .LBB2_5-.Ltmp3, $4  }
0xf4: {  	_ = 	snop  }
0xf5: {  	[tilespmem:s29+$0xFFFFFFF0] =	vst v6  }
0xf6: {  	[tilespmem:s29+$0x70] =	vst v3;
	s31 =	spop (v2sf)  }
0xf7: {  	[tilespmem:s29+$0x30] =	vst v56;
	s0 =	sxor.u32 $0x80000000, s31  }
0xf8: {  	s0 =	rddreg [dreg:$0x6]  }
0xf9: {  	[hbm4b:s0+s14] =	stream.strided.scatter [tilespmem:s19], [sflag:$0x1], $0x400, s15, s14, $0x38;
	[tilespmem:$0x7C00] =	vst v63  }
0xfa: {  	_ =	swait.ge [sflag:s16], $0x400  }
0xfb: {  	[sflag:s16] =	ssyncset.done $0x0  }
0xfc: {  	s30 =	rddreg [dreg:$0x7];
	[sflag:s16] =	ssyncadd.s32 $0xFFFFFC00  }
0xfd: {  	[hbm4b:s30+s14] =	stream.strided.scatter [tilespmem:s20], [sflag:$0x1], $0x400, s15, s14, $0x38;
	[tilespmem:$0x7C00] =	vst v63  }
0xfe: {  	_ =	swait.ge [sflag:s16], $0x400  }
0xff: {  	[sflag:s16] =	ssyncset.done $0x0  }
0x100: {  	s31 =	rddreg [dreg:$0x8];
	[sflag:s16] =	ssyncadd.s32 $0xFFFFFC00  }
0x101: {  	[hbm4b:s31+s14] =	stream.strided.scatter [tilespmem:s21], [sflag:$0x1], $0x400, s15, s14, $0x38;
	[tilespmem:$0x7C00] =	vst v63  }
0x102: {  	_ =	swait.ge [sflag:s16], $0x400  }
0x103: {  	[sflag:s16] =	ssyncset.done $0x0  }
0x104: {  	s0 =	simm.s32 $0x0;
	[sflag:s16] =	ssyncadd.s32 $0xFFFFFC00  }
.LBB2_9:
0x105: {  	s1 =	sshll.u32 s0, $0x7;
	s6 =	simm.s32 $0x0  }
.LBB2_10:
0x106: {  	s7 =	sadd.s32 s1, s6  }
0x107: {  	v3 =	vmov s7;
	_ =	sdelay $0x4  }
0x108: {  	v4 =	vld.idx.msk [tilespmem:v3+s19+$0x0], $0xffff  }
0x109: {  	s8 =	simm.s32 $0x2020;
	s9 =	simm.s32 $0x1020;
	v5 =	vld.idx.msk [tilespmem:v3+s20+$0x0], $0xffff  }
0x10a: {  	s26 =	simm.s32 $0x20;
	s28 =	simm.s32 $0x0;
	s7 =	simm.s32 $0x0;
	v6 =	vld.idx.msk [tilespmem:v3+s21+$0x0], $0xffff;
	v3 =	vmov s6  }
.LBB2_11:
0x10b: {  	v7 =	vld [tilespmem:s26+$0xFFFFFFE0]  }
0x10c: {  	v8 =	vld [tilespmem:s9+$0xFFFFFFE0]  }
0x10d: {  	v9 =	vld [tilespmem:s26+$0xFFFFFFF0]  }
0x10e: {  	v10 =	vld [tilespmem:s9+$0xFFFFFFF0]  }
0x10f: {  	v11 =	vld [tilespmem:s8+$0xFFFFFFE0]  }
0x110: {  	v12 =	vld [tilespmem:s8+$0xFFFFFFF0]  }
0x111: {  	v13 =	vld [tilespmem:s26+$0x0]  }
0x112: {  	v14 =	vld [tilespmem:s9+$0x0]  }
0x113: {  	v15 =	vld [tilespmem:s26+$0x10]  }
0x114: {  	v18 =	vld [tilespmem:s9+$0x10];
	v7 =	vsub.f32 v7, v4;
	v8 =	vsub.f32 v8, v5  }
0x115: {  	v21 =	vld [tilespmem:s8+$0x0];
	v9 =	vsub.f32 v9, v4;
	v10 =	vsub.f32 v10, v5  }
0x116: {  	v11 =	vsub.f32 v11, v6;
	v12 =	vsub.f32 v12, v6  }
0x117: {  	v57 =	vld [tilespmem:s8+$0x10];
	v13 =	vsub.f32 v13, v4;
	v14 =	vsub.f32 v14, v5;
	v16 =	vmul.f32 v7, v7  }
0x118: {  	v15 =	vsub.f32 v15, v4;
	v17 =	vmul.f32 v8, v8;
	v19 =	vmul.f32 v9, v9  }
0x119: {  	v18 =	vsub.f32 v18, v5;
	v20 =	vmul.f32 v10, v10;
	v58 =	vmul.f32 v11, v11  }
0x11a: {  	v21 =	vsub.f32 v21, v6;
	v23 =	vmul.f32 v13, v13;
	v24 =	vmul.f32 v14, v14  }
0x11b: {  	v25 =	vmul.f32 v15, v15;
	v26 =	vmul.f32 v18, v18;
	v16 =	vadd.f32 v17, v16  }
0x11c: {  	v22 =	vmul.f32 v12, v12;
	v19 =	vadd.f32 v20, v19;
	v17 =	vsub.f32 v57, v6  }
0x11d: {  	v60 =	vmul.f32 v21, v21;
	v59 =	vadd.f32 v24, v23;
	v61 =	vadd.f32 v26, v25  }
0x11e: {  	v16 =	vadd.f32 v58, v16;
	v19 =	vadd.f32 v22, v19;
	v62 =	vmul.f32 v17, v17  }
0x11f: {  	v20 =	vadd.f32 v60, v59  }
0x120: {  	vm0 =	vlt.f32 v16, $8.100000020e-01;
	vm1 =	vlt.f32 v19, $8.100000020e-01;
	v22 =	vadd.f32 v62, v61  }
0x121: {  	vm2 =	vlt.f32 v20, $8.100000020e-01;
	vm0 =	vmor vm0, vm1  }
0x122: {  	vm15 =	vlt.f32 v22, $8.100000020e-01;
	vm0 =	vmor vm0, vm2  }
0x123: {  	vm0 =	vmor vm0, vm15  }
0x124: {  	v63 =	vsel vm0, $0x3F800000, v2  }
0x125: {  	(xrf0) =	vmax.scan.msk.f32 $0xffff, v63;
	_ =	sdelay $0x5  }
0x126: {  	v23, _, _ =	vpop (xrf0)  }
0x127: {  	(v2sf) =	vpush v23, $0xF;
	_ =	sdelay $0xe  }
0x128: {  	s10 =	spop (v2sf)  }
0x129: {  	p0 =	sgt.f32 s10, $0.0e+00;
	_ =	sdelay $0x1  }
0x12a: {  	vm2 =	vlt.f32 @p0 v16, $8.100000020e-01  }
0x12b: {  	vm3 =	vlt.f32 @p0 v19, $8.100000020e-01;
	v19 =	vmpcnt.ones.xlane @p0 vm2  }
0x12c: {  	v16 =	vimm.s32 @p0 $0x1;
	vm1 =	vlt.f32 @p0 v20, $8.100000020e-01;
	v20 =	vmpcnt.ones.xlane @p0 vm3  }
0x12d: {  	vm0 =	vlt.f32 @p0 v22, $8.100000020e-01;
	(xrf0) =	vadd.scan.msk.s32 @p0 vm2, v16;
	v22 =	vmpcnt.ones.xlane @p0 vm1;
	v19 =	vadd.s32 @p0 s7, v19  }
0x12e: {  	v23 =	vmpcnt.ones.xlane @p0 vm0;
	v20 =	vadd.s32 @p0 v19, v20  }
0x12f: {  	v22 =	vadd.s32 @p0 v20, v22  }
0x130: {  	(xrf0) =	vadd.scan.msk.s32 @p0 vm3, v16;
	v23 =	vadd.s32 @p0 v22, v23  }
0x131: {  	(v2sf) =	vpush @p0 v23, $0x0;
	_ =	sdelay $0x1  }
0x132: {  	v24, _, _ =	vpop @p0 (xrf0);
	(xrf0) =	vadd.scan.msk.s32 @p0 vm1, v16  }
0x133: {  	v24 =	vadd.s32 @p0 s7, v24  }
0x134: {  	v24 =	vadd.s32 @p0 $0xFFFFFFFF, v24  }
0x135: {  	v23, _, _ =	vpop @p0 (xrf0);
	(xrf0) =	vadd.scan.msk.s32 @p0 vm0, v16;
	vm4 =	vlt.s32 @p0 v24, $0x20  }
0x136: {  	v16 =	vshll.u32 @p0 v24, $0x7;
	v19 =	vadd.s32 @p0 v19, v23;
	vm2 =	vmand @p0 vm2, vm4  }
0x137: {  	v16 =	vadd.s32 @p0 v3, v16;
	v19 =	vadd.s32 @p0 $0xFFFFFFFF, v19  }
0x138: {  	vm4 =	vlt.s32 @p0 v19, $0x20;
	v23, _, _ =	vpop @p0 (xrf0)  }
0x139: {  	v19 =	vshll.u32 @p0 v19, $0x7;
	vm3 =	vmand @p0 vm3, vm4;
	v20 =	vadd.s32 @p0 v20, v23  }
0x13a: {  	v19 =	vadd.s32 @p0 v3, v19;
	v20 =	vadd.s32 @p0 $0xFFFFFFFF, v20  }
0x13b: {  	s10 =	simm.s32 @p0 $0x4C00;
	v23, _, _ =	vpop @p0 (xrf0);
	vm4 =	vlt.s32 @p0 v20, $0x20  }
0x13c: {  	s12 =	simm.s32 @p0 $0x5C00;
	[tilespmem:v16+s10+$0x0] =	vst.idx.msk @p0 vm2, v7;
	vm1 =	vmand @p0 vm1, vm4;
	v7 =	vshll.u32 @p0 v20, $0x7;
	v20 =	vadd.s32 @p0 v22, v23  }
0x13d: {  	s29 =	simm.s32 @p0 $0x6C00;
	[tilespmem:v16+s12+$0x0] =	vst.idx.msk @p0 vm2, v8;
	v7 =	vadd.s32 @p0 v3, v7;
	v8 =	vadd.s32 @p0 $0xFFFFFFFF, v20  }
0x13e: {  	[tilespmem:v16+s29+$0x0] =	vst.idx.msk @p0 vm2, v11;
	vm2 =	vlt.s32 @p0 v8, $0x20  }
0x13f: {  	v8 =	vshll.u32 @p0 v8, $0x7;
	[tilespmem:v19+s10+$0x0] =	vst.idx.msk @p0 vm3, v9;
	vm0 =	vmand @p0 vm0, vm2;
	s30 =	spop @p0 (v2sf)  }
0x140: {  	p1 =	sgt.u32 s28, $0x3E;
	v8 =	vadd.s32 @p0 v3, v8;
	[tilespmem:v19+s12+$0x0] =	vst.idx.msk @p0 vm3, v10;
	s7 =	smov.u32 @p0 s30  }
0x141: {  	[tilespmem:v19+s29+$0x0] =	vst.idx.msk @p0 vm3, v12;
	p2 =	slt.s32 @!p1 s7, $0x20  }
0x142: {  	[tilespmem:v7+s10+$0x0] =	vst.idx.msk @p0 vm1, v13;
	p1 =	por p1, !p2  }
.Ltmp4:
0x143: {  	[tilespmem:v7+s12+$0x0] =	vst.idx.msk @p0 vm1, v14;
	(pc) =	sbr.rel @!p1 .LBB2_11-.Ltmp4, $4  }
0x144: {  	[tilespmem:v7+s29+$0x0] =	vst.idx.msk @p0 vm1, v21  }
0x145: {  	[tilespmem:v8+s10+$0x0] =	vst.idx.msk @p0 vm0, v15  }
0x146: {  	s8 =	sadd.s32 $0x40, s8;
	[tilespmem:v8+s12+$0x0] =	vst.idx.msk @p0 vm0, v18  }
0x147: {  	s9 =	sadd.s32 $0x40, s9;
	s26 =	sadd.s32 $0x40, s26;
	s28 =	sadd.s32 $0x1, s28;
	[tilespmem:v8+s29+$0x0] =	vst.idx.msk @p0 vm0, v17  }
0x148: {  	_ =	sdelay $0x1  }
0x149: {  	v4 =	vmov s7;
	v5 =	vadd.s32 $0x1, v1;
	v6 =	vmul.u32 $0x80, v1  }
0x14a: {  	vm0 =	vlt.s32 v4, v5  }
0x14b: {  	v62 =	vld.idx.msk [tilespmem:v3+s22+$0x0], $0xffff;
	v7 =	vor.u32 v6, v3  }
0x14c: {  	v8 =	vld.idx.msk [tilespmem:v3+s23+$0x0], $0xffff;
	v9 =	vadd.s32 $0x11, v1  }
0x14d: {  	v63 =	vld.idx.msk [tilespmem:v3+s24+$0x0], $0xffff;
	vm1 =	vlt.s32 v4, v9;
	v6 =	vor.u32 $0x800, v6  }
0x14e: {  	v3 =	vor.u32 v6, v3  }
0x14f: {  	s6 =	sadd.s32 $0x1, s6  }
0x150: {  	p0 =	sne.s32 s6, $0x80;
	[tilespmem:v7+s22+$0x0] =	vst.idx.msk vm0, v62  }
.Ltmp5:
0x151: {  	[tilespmem:v7+s23+$0x0] =	vst.idx.msk vm0, v8;
	(pc) =	sbr.rel @p0 .LBB2_10-.Ltmp5, $4  }
0x152: {  	[tilespmem:v7+s24+$0x0] =	vst.idx.msk vm0, v63  }
0x153: {  	[tilespmem:v3+s22+$0x0] =	vst.idx.msk vm1, v62  }
0x154: {  	[tilespmem:v3+s23+$0x0] =	vst.idx.msk vm1, v8  }
0x155: {  	[tilespmem:v3+s24+$0x0] =	vst.idx.msk vm1, v63  }
0x156: {  	s1 =	sadd.s32 s11, s1  }
0x157: {  	s6 =	sadd.s32 s2, s1  }
0x158: {  	[hbm4b:s6+s15] =	stream.strided.scatter [tilespmem:s22], [sflag:$0x1], $0x1000, s18, s15, $0x38;
	[tilespmem:$0x7C00] =	vst v63  }
0x159: {  	_ =	swait.ge [sflag:s16], $0x1000  }
0x15a: {  	[sflag:s16] =	ssyncset.done $0x0  }
0x15b: {  	s31 =	sadd.s32 s4, s1;
	[sflag:s16] =	ssyncadd.s32 $0xFFFFF000  }
0x15c: {  	[hbm4b:s31+s15] =	stream.strided.scatter [tilespmem:s23], [sflag:$0x1], $0x1000, s18, s15, $0x38;
	[tilespmem:$0x7C00] =	vst v63  }
0x15d: {  	s0 =	sadd.s32 $0x1, s0;
	_ =	swait.ge [sflag:s16], $0x1000  }
0x15e: {  	p0 =	sne.s32 s0, $0x8;
	[sflag:s16] =	ssyncset.done $0x0  }
.Ltmp6:
0x15f: {  	s1 =	sadd.s32 s5, s1;
	[sflag:s16] =	ssyncadd.s32 $0xFFFFF000;
	(pc) =	sbr.rel @p0 .LBB2_9-.Ltmp6, $4  }
0x160: {  	[hbm4b:s1+s15] =	stream.strided.scatter [tilespmem:s24], [sflag:$0x1], $0x1000, s18, s15, $0x38;
	[tilespmem:$0x7C00] =	vst v63  }
0x161: {  	_ =	swait.ge [sflag:s16], $0x1000  }
0x162: {  	[sflag:s16] =	ssyncset.done $0x0  }
0x163: {  	[sflag:s16] =	ssyncadd.s32 $0xFFFFF000  }
0x164: {  	s25 =	sadd.s32 $0x1, s25  }
0x165: {  	p0 =	sne.s32 s25, s13  }
.Ltmp7:
0x166: {  	_ = 	snop;
	(pc) =	sbr.rel @p0 .LBB2_2-.Ltmp7, $1  }
0x167: {  	_ =	sdelay $0x3  }
.LBB2_15:
0x168: {  	_ =	sfence.sel $0x180000  }
0x169: {  	[bflag:$0x0] =	sbarrier.arrive $0xFFFF  }
0x16a: {  	_ =	strace $0x90000047  }
0x16b: {  	s0 =	stileid.u32;
	[bflag:$0x2] =	sbarrier.arrive $0xFFFF  }
0x16c: {  	p0 =	sne.s32 s0, $0x0;
	s0 =	rddreg [dreg:$0x3]  }
0x16d: {  	s0 =	sadd.s32 @!p0 $0x100000, s0  }
0x16e: {  	[sflag:s0] =	ssyncadd.tile.s32 @!p0 $0x1;
	_ =	shalt  }
.Lfunc_end2:
_tile_overlayer_lowered:
.L_overlay_start_2:
0x16f: {  	(tag) =	ssettag $0x2  }
0x170: {  	s0 =	rddreg [dreg:$0x0];
	s2 =	stileid.u32  }
0x171: {  	s1 =	rddreg [dreg:$0x1];
	p0 =	sne.s32 s2, $0x0  }
0x172: {  	s3 =	rddreg [dreg:$0x2];
	[bflag:$0x3] =	sbarrier.arrive $0xFFFF;
	s2 =	simm.s32 @!p0 $0x1C01  }
0x173: {  	[timem:s3], [sflag:s2] =	dma.local @!p0 [hbm:s0], s1  }
0x174: {  	s0 =	simm.s32 @!p0 $0x1  }
0x175: {  	_ =	swait.ge @!p0 [sflag:s0], s1  }
0x176: {  	s1 =	ssub.s32 @!p0 $0x0, s1;
	[sflag:s0] =	ssyncset.done @!p0 $0x0  }
0x177: {  	[sflag:s0] =	ssyncadd.s32 @!p0 s1  }
0x178: {  	[bflag:$0x3] =	sbarrier.arrive $0xFFFF  }
0x179: {  	_ =	shalt  }

</sc_bundles>
